<compile_context>
chip_gen: v7x
topology: tpu7x:2x2x1
jax: 0.10.2.dev20260603
libtpu: 0.0.44.dev20260713+nightly
codegen_flags: <defaults>
</compile_context>

<pallas_src>
import functools

import jax
import jax.numpy as jnp
from jax import lax
from jax.experimental import pallas as pl
from jax.experimental.pallas import tpu as pltpu
from jax.experimental.pallas import tpu_sc as plsc

N = 10000
E = 640000
NP = 10240
F = 128
BN = 1024
CHUNK = 8000
ONES_ROW = 126



def _pack_rows(y):
    lo = lax.bitcast_convert_type(y[:F // 2].astype(jnp.bfloat16), jnp.uint16)
    hi = lax.bitcast_convert_type(y[F // 2:].astype(jnp.bfloat16), jnp.uint16)
    packed = (hi.astype(jnp.uint32) << 16) | lo.astype(jnp.uint32)
    return lax.bitcast_convert_type(packed, jnp.int32)


def _k1_body(w_ref, x_ref, o_ref):
    y = lax.dot_general(w_ref[...], x_ref[...],
                        (((1,), (1,)), ((), ())),
                        preferred_element_type=jnp.float32)
    row = lax.broadcasted_iota(jnp.int32, y.shape, 0)
    o_ref[...] = _pack_rows(jnp.where(row == ONES_ROW // 2, 1.0, y))


def _project1(W1lp_eo, x_p):
    return pl.pallas_call(
        _k1_body,
        grid=(NP // BN,),
        in_specs=[pl.BlockSpec((F, F), lambda j: (0, 0)),
                  pl.BlockSpec((BN, F), lambda j: (j, 0))],
        out_specs=pl.BlockSpec((F // 2, BN), lambda j: (0, j)),
        out_shape=jax.ShapeDtypeStruct((F // 2, NP), jnp.int32),
    )(W1lp_eo, x_p)


def _k2_body(s_ref, x_ref, wr_ref, wl2_ref, sc_ref, sh_ref, h_ref, y2_ref):
    S = s_ref[...]
    invc = 1.0 / jnp.maximum(S[ONES_ROW:ONES_ROW + 1, :], 1.0)
    xr = lax.dot_general(wr_ref[...], x_ref[...],
                         (((1,), (1,)), ((), ())),
                         preferred_element_type=jnp.float32)
    h = jnp.maximum((S * invc + xr) * sc_ref[...] + sh_ref[...], 0.0)
    h_ref[...] = h
    y2 = lax.dot_general(wl2_ref[...], h,
                         (((1,), (0,)), ((), ())),
                         preferred_element_type=jnp.float32)
    y2_ref[...] = _pack_rows(y2)


def _layer1_epilogue(S1t, x_p, W1rp, W2lp_eo, scale1, shift1):
    return pl.pallas_call(
        _k2_body,
        grid=(NP // BN,),
        in_specs=[pl.BlockSpec((F, BN), lambda j: (0, j)),
                  pl.BlockSpec((BN, F), lambda j: (j, 0)),
                  pl.BlockSpec((F, F), lambda j: (0, 0)),
                  pl.BlockSpec((F, F), lambda j: (0, 0)),
                  pl.BlockSpec((F, 1), lambda j: (0, 0)),
                  pl.BlockSpec((F, 1), lambda j: (0, 0))],
        out_specs=[pl.BlockSpec((F, BN), lambda j: (0, j)),
                   pl.BlockSpec((F // 2, BN), lambda j: (0, j))],
        out_shape=[jax.ShapeDtypeStruct((F, NP), jnp.float32),
                   jax.ShapeDtypeStruct((F // 2, NP), jnp.int32)],
    )(S1t, x_p, W1rp, W2lp_eo, scale1, shift1)


def _k3_body(s2_ref, s1_ref, h1_ref, wr2_ref, sc_ref, sh_ref, o_ref):
    invc = 1.0 / jnp.maximum(s1_ref[ONES_ROW:ONES_ROW + 1, :], 1.0)
    xr = lax.dot_general(wr2_ref[...], h1_ref[...],
                         (((1,), (0,)), ((), ())),
                         preferred_element_type=jnp.float32)
    h2 = jnp.maximum(
        (s2_ref[...] * invc + xr) * sc_ref[...] + sh_ref[...], 0.0)
    o_ref[...] = h2.T


def _layer2_epilogue(S2t, S1t, h1t, W2rp, scale2, shift2):
    return pl.pallas_call(
        _k3_body,
        grid=(NP // BN,),
        in_specs=[pl.BlockSpec((F, BN), lambda j: (0, j)),
                  pl.BlockSpec((F, BN), lambda j: (0, j)),
                  pl.BlockSpec((F, BN), lambda j: (0, j)),
                  pl.BlockSpec((F, F), lambda j: (0, 0)),
                  pl.BlockSpec((F, 1), lambda j: (0, 0)),
                  pl.BlockSpec((F, 1), lambda j: (0, 0))],
        out_specs=pl.BlockSpec((BN, F), lambda j: (j, 0)),
        out_shape=jax.ShapeDtypeStruct((NP, F), jnp.float32),
    )(S2t, S1t, h1t, W2rp, scale2, shift2)



_RPW = F // 32
_SLICE = _RPW * NP
_PPW = _RPW // 2
_PSLICE = _PPW * NP
_NCH = E // CHUNK


@functools.cache
def _make_sc_segsum():
    mesh = plsc.VectorSubcoreMesh(core_axis_name="c", subcore_axis_name="s",
                                  num_cores=2, num_subcores=16)
    return pl.kernel(
        _sc_segsum_body,
        mesh=mesh,
        out_type=jax.ShapeDtypeStruct((F * NP,), jnp.float32),
        scratch_types=[
            pltpu.VMEM((_PSLICE,), jnp.int32),
            pltpu.VMEM((_SLICE,), jnp.float32),
            pltpu.VMEM((CHUNK,), jnp.int32),
            pltpu.VMEM((CHUNK,), jnp.int32),
            pltpu.SemaphoreType.DMA((2,)),
            pltpu.SemaphoreType.DMA,
        ],
        compiler_params=pltpu.CompilerParams(needs_layout_passes=False),
    )


def _sc_segsum(yt_flat, comb):
    return _make_sc_segsum()(yt_flat, comb)


def _sc_segsum_body(yt_hbm, comb_hbm, out_hbm,
                    col_y, accum, eb0, eb1, sem_e, sem_y):
    edge_b = (eb0, eb1)
    w = lax.axis_index("s") * 2 + lax.axis_index("c")
    base = w * _SLICE
    pbase = w * _PSLICE
    ycopy = pltpu.async_copy(yt_hbm.at[pl.ds(pbase, _PSLICE)], col_y, sem_y)

    zero16 = jnp.zeros((16,), jnp.float32)

    @plsc.parallel_loop(0, _SLICE // 16, unroll=8)
    def _zero(i):
        accum[pl.ds(i * 16, 16)] = zero16

    ycopy.wait()

    def _start(c, b):
        pltpu.async_copy(comb_hbm.at[pl.ds(c * CHUNK, CHUNK)],
                         edge_b[b], sem_e.at[b])

    def _wait(c, b):
        pltpu.make_async_copy(comb_hbm.at[pl.ds(c * CHUNK, CHUNK)],
                              edge_b[b], sem_e.at[b]).wait()

    _start(0, 0)
    mask14 = jnp.full((16,), 16383, jnp.int32)

    def _group(g, _):
        for b in range(2):
            c = g * 2 + b

            @pl.when(c + 1 < _NCH)
            def _():
                _start(c + 1, 1 - b)

            _wait(c, b)

            @plsc.parallel_loop(0, CHUNK // 16, unroll=4)
            def _edges16(i):
                cb16 = edge_b[b][pl.ds(i * 16, 16)]
                s16 = lax.shift_right_logical(cb16, 14)
                d16 = cb16 & mask14
                for pp in range(_PPW):
                    sidx = s16 if pp == 0 else s16 + jnp.int32(pp * NP)
                    w16 = plsc.load_gather(col_y, [sidx])
                    bfv = plsc.bitcast(w16, jnp.bfloat16)
                    lov, hiv = plsc.unpack(
                        bfv, format=plsc.PackFormat.INTERLEAVED,
                        preferred_element_type=jnp.float32)
                    dlo = d16 if pp == 0 else d16 + jnp.int32(2 * pp * NP)
                    plsc.addupdate_scatter(accum, [dlo], lov)
                    plsc.addupdate_scatter(
                        accum, [d16 + jnp.int32((2 * pp + 1) * NP)], hiv)

        return 0

    lax.fori_loop(0, _NCH // 2, _group, 0)
    pltpu.sync_copy(accum, out_hbm.at[pl.ds(base, _SLICE)])



def _pad_w(W):
    return jnp.zeros((F, F), jnp.float32).at[:W.shape[0], :W.shape[1]].set(W)


def _bn_fold(g, be, rm, rv, b, eps=1e-5):
    scale = g * lax.rsqrt(rv + eps)
    shift = be - rm * scale + b * scale
    scale_p = jnp.zeros((F, 1), jnp.float32).at[:scale.shape[0], 0].set(scale)
    shift_p = jnp.zeros((F, 1), jnp.float32).at[:shift.shape[0], 0].set(shift)
    return scale_p, shift_p


def kernel(x, edge_index, W1l, b1l, W1r, g1, be1, rm1, rv1,
           W2l, b2l, W2r, g2, be2, rm2, rv2):
    x_p = jnp.zeros((NP, F), jnp.float32).at[:N, :].set(x)
    comb = edge_index[0] * jnp.int32(16384) + edge_index[1]

    perm_eo = jnp.concatenate([jnp.arange(0, F, 2), jnp.arange(1, F, 2)])
    W1lp_eo = _pad_w(W1l)[perm_eo]
    W1rp = _pad_w(W1r)
    W2lp_eo = _pad_w(W2l)[perm_eo]
    W2rp = _pad_w(W2r)
    scale1, shift1 = _bn_fold(g1, be1, rm1, rv1, b1l)
    scale2, shift2 = _bn_fold(g2, be2, rm2, rv2, b2l)

    y1t = _project1(W1lp_eo, x_p)
    S1t = _sc_segsum(y1t.reshape(-1), comb).reshape(F, NP)
    h1t, y2t = _layer1_epilogue(S1t, x_p, W1rp, W2lp_eo, scale1, shift1)
    S2t = _sc_segsum(y2t.reshape(-1), comb).reshape(F, NP)
    h2 = _layer2_epilogue(S2t, S1t, h1t, W2rp, scale2, shift2)

    return h2[:N, :126]

# --- scband reference (transcript-rebuilt; emitter-appended) ---
"""Pipeline reference for scband-adv-gnn-8160437862402 (READ-ONLY COPY).

The authoritative reference and input builder live on the scoring server;
editing this copy changes nothing except your own understanding.
"""

import jax, jax.numpy as jnp
import numpy as np

N = 10000
E = 640000
D_IN = 128
H = 126


def _init_linear(key, out_f, in_f, bias=True):
    k1, k2 = jax.random.split(key)
    bound = 1.0 / np.sqrt(in_f)
    W = jax.random.uniform(k1, (out_f, in_f), minval=-bound, maxval=bound, dtype=jnp.float32)
    if bias:
        b = jax.random.uniform(k2, (out_f,), minval=-bound, maxval=bound, dtype=jnp.float32)
        return W, b
    return W, None


def setup_inputs(seed: int = 0):
    key = jax.random.key(seed)
    ks = jax.random.split(key, 8)
    x = jax.random.normal(ks[0], (N, D_IN), dtype=jnp.float32)
    edge_index = jax.random.randint(ks[1], (2, E), 0, N, dtype=jnp.int32)
    W1l, b1l = _init_linear(ks[2], H, D_IN, bias=True)
    W1r, _ = _init_linear(ks[3], H, D_IN, bias=False)
    W2l, b2l = _init_linear(ks[4], H, H, bias=True)
    W2r, _ = _init_linear(ks[5], H, H, bias=False)
    g1 = jnp.ones((H,), jnp.float32); be1 = jnp.zeros((H,), jnp.float32)
    rm1 = jnp.zeros((H,), jnp.float32); rv1 = jnp.ones((H,), jnp.float32)
    g2 = jnp.ones((H,), jnp.float32); be2 = jnp.zeros((H,), jnp.float32)
    rm2 = jnp.zeros((H,), jnp.float32); rv2 = jnp.ones((H,), jnp.float32)
    return {"x": x, "edge_index": edge_index,
            "W1l": W1l, "b1l": b1l, "W1r": W1r, "g1": g1, "be1": be1, "rm1": rm1, "rv1": rv1,
            "W2l": W2l, "b2l": b2l, "W2r": W2r, "g2": g2, "be2": be2, "rm2": rm2, "rv2": rv2}


def _sage_conv_mean(x, edge_index, Wl, bl, Wr):
    # PyG SAGEConv (aggr='mean'): out = lin_l(mean_{j in N(i)} x_j) + lin_r(x_i)
    src = edge_index[0]
    dst = edge_index[1]
    msg = jnp.take(x, src, axis=0)                       # gather x_j
    s = jax.ops.segment_sum(msg, dst, num_segments=x.shape[0])
    cnt = jax.ops.segment_sum(jnp.ones((edge_index.shape[1],), x.dtype), dst, num_segments=x.shape[0])
    agg = s / jnp.clip(cnt, 1.0, None)[:, None]          # mean aggregation
    return agg @ Wl.T + bl + x @ Wr.T


def _batch_norm_eval(h, g, b, rm, rv, eps=1e-5):
    return (h - rm) * jax.lax.rsqrt(rv + eps) * g + b


def reference(x, edge_index, W1l, b1l, W1r, g1, be1, rm1, rv1,
              W2l, b2l, W2r, g2, be2, rm2, rv2):
    h = _sage_conv_mean(x, edge_index, W1l, b1l, W1r)
    h = _batch_norm_eval(h, g1, be1, rm1, rv1)
    h = jax.nn.relu(h)
    # dropout is identity in eval mode
    h = _sage_conv_mean(h, edge_index, W2l, b2l, W2r)
    h = _batch_norm_eval(h, g2, be2, rm2, rv2)
    h = jax.nn.relu(h)
    return h

if __name__ == "__main__":
    import jax
    _d = setup_inputs()
    print(jax.jit(kernel)(*tuple(_d.values())))

</pallas_src>

<mosaic_0001>
#map = affine_map<(d0, d1) -> (0)>
module attributes {stable_mosaic.version = 14 : i64} {
  func.func @_sc_segsum_body(%arg0: i32, %arg1: i32, %arg2: memref<655360xi32, #tpu.memory_space<hbm>>, %arg3: memref<640000xi32, #tpu.memory_space<hbm>>, %arg4: memref<1310720xf32, #tpu.memory_space<hbm>>, %arg5: memref<20480xi32, #tpu.memory_space<vmem>>, %arg6: memref<40960xf32, #tpu.memory_space<vmem>>, %arg7: memref<8000xi32, #tpu.memory_space<vmem>>, %arg8: memref<8000xi32, #tpu.memory_space<vmem>>, %arg9: memref<2x!tpu.dma_semaphore, #tpu.memory_space<semaphore_mem>>, %arg10: memref<!tpu.dma_semaphore, #tpu.memory_space<semaphore_mem>>) attributes {dimension_semantics = [#tpu.dimension_semantics<core_parallel>, #tpu.dimension_semantics<subcore_parallel>], iteration_bounds = array<i64: 2, 16>, scalar_prefetch = 0 : i64, scratch_operands = 6 : i64, tpu.core_type = #tpu.core_type<sc_vector_subcore>, window_params = [{transform_indices = #map}, {transform_indices = #map}, {transform_indices = #map}]} {
    %mul3A = arith.constant 2 : i32
    %mul3A_0 = arith.muli %arg1, %mul3A : i32
    %add3A = arith.addi %mul3A_0, %arg0 : i32
    %mul3A_1 = arith.constant 40960 : i32
    %mul3A_2 = arith.muli %add3A, %mul3A_1 : i32
    %mul3A_3 = arith.constant 20480 : i32
    %mul3A_4 = arith.muli %add3A, %mul3A_3 : i32
    %dma_start3A = tpu.memref_slice %arg2[%mul3A_4] : memref<655360xi32, #tpu.memory_space<hbm>> -> memref<20480xi32, #tpu.memory_space<hbm>>
    %dma_start3A_5 = tpu.memref_slice %arg2[%mul3A_4] : memref<655360xi32, #tpu.memory_space<hbm>> -> memref<20480xi32, #tpu.memory_space<hbm>>
    tpu.enqueue_dma source(%dma_start3A_5 : memref<20480xi32, #tpu.memory_space<hbm>>) target(%arg5 : memref<20480xi32, #tpu.memory_space<vmem>>) target_semaphore(%arg10 : memref<!tpu.dma_semaphore, #tpu.memory_space<semaphore_mem>>)
    %broadcast_in_dim3A = arith.constant 0.000000e+00 : f32
    %broadcast_in_dim3A_6 = vector.broadcast %broadcast_in_dim3A : f32 to vector<16xf32>
    %parallel_loop3A = arith.constant 0 : i32
    %parallel_loop3A_7 = arith.constant 2560 : i32
    %parallel_loop3A_8 = arith.constant 1 : i32
    scf.for %parallel_loop3A_25 = %parallel_loop3A to %parallel_loop3A_7 step %parallel_loop3A_8  : i32 {
      %parallel_loop3A_26 = arith.constant 16 : i32
      %parallel_loop3A_27 = arith.muli %parallel_loop3A_25, %parallel_loop3A_26 : i32
      %parallel_loop3A_28 = arith.index_cast %parallel_loop3A_27 : i32 to index
      %parallel_loop3A_29 = tpu.vector_load %arg6[%parallel_loop3A_28] {strides = array<i32>} : memref<40960xf32, #tpu.memory_space<vmem>>, vector<16xf32>,
      tpu.vector_store %arg6[%parallel_loop3A_28], %broadcast_in_dim3A_6 {strides = array<i32>} : memref<40960xf32, #tpu.memory_space<vmem>>, vector<16xf32>,
    } {sc.loop_unroll_factor = 8 : i64, sc.parallel_access}
    %dma_wait3A = tpu.memref_slice %arg2[%mul3A_4] : memref<655360xi32, #tpu.memory_space<hbm>> -> memref<20480xi32, #tpu.memory_space<hbm>>
    %dma_wait3A_9 = tpu.memref_slice %arg2[%mul3A_4] : memref<655360xi32, #tpu.memory_space<hbm>> -> memref<20480xi32, #tpu.memory_space<hbm>>
    tpu.wait_dma2 semaphore(%arg10 : memref<!tpu.dma_semaphore, #tpu.memory_space<semaphore_mem>>) src(%dma_wait3A_9 : memref<20480xi32, #tpu.memory_space<hbm>>) dst(%arg5 : memref<20480xi32, #tpu.memory_space<vmem>>)
    %dma_start3A_10 = arith.constant 0 : i32
    %dma_start3A_11 = arith.constant 0 : i32
    %dma_start3A_12 = tpu.memref_slice %arg3[%dma_start3A_11] : memref<640000xi32, #tpu.memory_space<hbm>> -> memref<8000xi32, #tpu.memory_space<hbm>>
    %dma_start3A_13 = tpu.memref_slice %arg9[%dma_start3A_10] : memref<2x!tpu.dma_semaphore, #tpu.memory_space<semaphore_mem>> -> memref<1x!tpu.dma_semaphore, #tpu.memory_space<semaphore_mem>>
    %dma_start3A_14 = tpu.memref_squeeze %dma_start3A_13 : memref<1x!tpu.dma_semaphore, #tpu.memory_space<semaphore_mem>> -> memref<!tpu.dma_semaphore, #tpu.memory_space<semaphore_mem>>
    %dma_start3A_15 = arith.constant 0 : i32
    %dma_start3A_16 = tpu.memref_slice %arg3[%dma_start3A_15] : memref<640000xi32, #tpu.memory_space<hbm>> -> memref<8000xi32, #tpu.memory_space<hbm>>
    tpu.enqueue_dma source(%dma_start3A_16 : memref<8000xi32, #tpu.memory_space<hbm>>) target(%arg7 : memref<8000xi32, #tpu.memory_space<vmem>>) target_semaphore(%dma_start3A_14 : memref<!tpu.dma_semaphore, #tpu.memory_space<semaphore_mem>>)
    %broadcast_in_dim3A_17 = arith.constant 16383 : i32
    %broadcast_in_dim3A_18 = vector.broadcast %broadcast_in_dim3A_17 : i32 to vector<16xi32>
    %scan3A = arith.constant 0 : i32
    %scan3A_19 = arith.constant 0 : i32
    %scan3A_20 = arith.constant 40 : i32
    %scan3A_21 = arith.addi %scan3A_19, %scan3A_20 : i32
    %scan3A_22 = arith.constant 1 : i32
    %scan3A_23 = scf.for %scan3A_25 = %scan3A_19 to %scan3A_21 step %scan3A_22 iter_args(%scan3A_26 = %scan3A) -> (i32)  : i32 {
      %mul3A_27 = arith.constant 2 : i32
      %mul3A_28 = arith.muli %scan3A_25, %mul3A_27 : i32
      %add3A_29 = arith.constant 0 : i32
      %add3A_30 = arith.addi %mul3A_28, %add3A_29 : i32
      %add3A_31 = arith.constant 1 : i32
      %add3A_32 = arith.addi %add3A_30, %add3A_31 : i32
      %lt3A = arith.constant 80 : i32
      %lt3A_33 = arith.cmpi slt, %add3A_32, %lt3A : i32
      %convert_element_type3A = arith.extui %lt3A_33 : i1 to i32
      %cond3A = arith.constant 0 : i32
      %cond3A_34 = arith.cmpi ne, %convert_element_type3A, %cond3A : i32
      scf.if %cond3A_34 {
        %add3A_67 = arith.constant 1 : i32
        %add3A_68 = arith.addi %add3A_30, %add3A_67 : i32
        %mul3A_69 = arith.constant 8000 : i32
        %mul3A_70 = arith.muli %add3A_68, %mul3A_69 : i32
        %dma_start3A_71 = arith.constant 1 : i32
        %dma_start3A_72 = tpu.memref_slice %arg3[%mul3A_70] : memref<640000xi32, #tpu.memory_space<hbm>> -> memref<8000xi32, #tpu.memory_space<hbm>>
        %dma_start3A_73 = tpu.memref_slice %arg9[%dma_start3A_71] : memref<2x!tpu.dma_semaphore, #tpu.memory_space<semaphore_mem>> -> memref<1x!tpu.dma_semaphore, #tpu.memory_space<semaphore_mem>>
        %dma_start3A_74 = tpu.memref_squeeze %dma_start3A_73 : memref<1x!tpu.dma_semaphore, #tpu.memory_space<semaphore_mem>> -> memref<!tpu.dma_semaphore, #tpu.memory_space<semaphore_mem>>
        %dma_start3A_75 = tpu.memref_slice %arg3[%mul3A_70] : memref<640000xi32, #tpu.memory_space<hbm>> -> memref<8000xi32, #tpu.memory_space<hbm>>
        tpu.enqueue_dma source(%dma_start3A_75 : memref<8000xi32, #tpu.memory_space<hbm>>) target(%arg8 : memref<8000xi32, #tpu.memory_space<vmem>>) target_semaphore(%dma_start3A_74 : memref<!tpu.dma_semaphore, #tpu.memory_space<semaphore_mem>>)
      } else {
      }
      %mul3A_35 = arith.constant 8000 : i32
      %mul3A_36 = arith.muli %add3A_30, %mul3A_35 : i32
      %dma_wait3A_37 = arith.constant 0 : i32
      %dma_wait3A_38 = tpu.memref_slice %arg3[%mul3A_36] : memref<640000xi32, #tpu.memory_space<hbm>> -> memref<8000xi32, #tpu.memory_space<hbm>>
      %dma_wait3A_39 = tpu.memref_slice %arg9[%dma_wait3A_37] : memref<2x!tpu.dma_semaphore, #tpu.memory_space<semaphore_mem>> -> memref<1x!tpu.dma_semaphore, #tpu.memory_space<semaphore_mem>>
      %dma_wait3A_40 = tpu.memref_squeeze %dma_wait3A_39 : memref<1x!tpu.dma_semaphore, #tpu.memory_space<semaphore_mem>> -> memref<!tpu.dma_semaphore, #tpu.memory_space<semaphore_mem>>
      %dma_wait3A_41 = tpu.memref_slice %arg3[%mul3A_36] : memref<640000xi32, #tpu.memory_space<hbm>> -> memref<8000xi32, #tpu.memory_space<hbm>>
      tpu.wait_dma2 semaphore(%dma_wait3A_40 : memref<!tpu.dma_semaphore, #tpu.memory_space<semaphore_mem>>) src(%dma_wait3A_41 : memref<8000xi32, #tpu.memory_space<hbm>>) dst(%arg7 : memref<8000xi32, #tpu.memory_space<vmem>>)
      %parallel_loop3A_42 = arith.constant 0 : i32
      %parallel_loop3A_43 = arith.constant 500 : i32
      %parallel_loop3A_44 = arith.constant 1 : i32
      scf.for %parallel_loop3A_67 = %parallel_loop3A_42 to %parallel_loop3A_43 step %parallel_loop3A_44  : i32 {
        %parallel_loop3A_68 = arith.constant 16 : i32
        %parallel_loop3A_69 = arith.muli %parallel_loop3A_67, %parallel_loop3A_68 : i32
        %parallel_loop3A_70 = arith.index_cast %parallel_loop3A_69 : i32 to index
        %parallel_loop3A_71 = tpu.vector_load %arg7[%parallel_loop3A_70] {strides = array<i32>} : memref<8000xi32, #tpu.memory_space<vmem>>, vector<16xi32>,
        %parallel_loop3A_72 = arith.constant 14 : i32
        %parallel_loop3A_73 = vector.broadcast %parallel_loop3A_72 : i32 to vector<16xi32>
        %parallel_loop3A_74 = arith.shrui %parallel_loop3A_71, %parallel_loop3A_73 : vector<16xi32>
        %parallel_loop3A_75 = arith.andi %parallel_loop3A_71, %broadcast_in_dim3A_18 : vector<16xi32>
        %parallel_loop3A_76 = tpu.vector_load_idx %arg5[%parallel_loop3A_74] : memref<20480xi32, #tpu.memory_space<vmem>>[vector<16xi32>], vector<16xi32>,
        %parallel_loop3A_77 = vector.bitcast %parallel_loop3A_76 : vector<16xi32> to vector<32xbf16>
        %parallel_loop3A_78 = tpu.unpack_subelements %parallel_loop3A_77, 0 {pack_format = #tpu.pack_format<interleaved>} : vector<32xbf16> -> vector<16xf32>
        %parallel_loop3A_79 = tpu.unpack_subelements %parallel_loop3A_77, 1 {pack_format = #tpu.pack_format<interleaved>} : vector<32xbf16> -> vector<16xf32>
        tpu.vector_store_idx %arg6[%parallel_loop3A_75], %parallel_loop3A_78 {add = true} : memref<40960xf32, #tpu.memory_space<vmem>>[vector<16xi32>], vector<16xf32>,
        %parallel_loop3A_80 = arith.constant 10240 : i32
        %parallel_loop3A_81 = vector.broadcast %parallel_loop3A_80 : i32 to vector<16xi32>
        %parallel_loop3A_82 = arith.addi %parallel_loop3A_75, %parallel_loop3A_81 : vector<16xi32>
        tpu.vector_store_idx %arg6[%parallel_loop3A_82], %parallel_loop3A_79 {add = true} : memref<40960xf32, #tpu.memory_space<vmem>>[vector<16xi32>], vector<16xf32>,
        %parallel_loop3A_83 = arith.constant 10240 : i32
        %parallel_loop3A_84 = vector.broadcast %parallel_loop3A_83 : i32 to vector<16xi32>
        %parallel_loop3A_85 = arith.addi %parallel_loop3A_74, %parallel_loop3A_84 : vector<16xi32>
        %parallel_loop3A_86 = tpu.vector_load_idx %arg5[%parallel_loop3A_85] : memref<20480xi32, #tpu.memory_space<vmem>>[vector<16xi32>], vector<16xi32>,
        %parallel_loop3A_87 = vector.bitcast %parallel_loop3A_86 : vector<16xi32> to vector<32xbf16>
        %parallel_loop3A_88 = tpu.unpack_subelements %parallel_loop3A_87, 0 {pack_format = #tpu.pack_format<interleaved>} : vector<32xbf16> -> vector<16xf32>
        %parallel_loop3A_89 = tpu.unpack_subelements %parallel_loop3A_87, 1 {pack_format = #tpu.pack_format<interleaved>} : vector<32xbf16> -> vector<16xf32>
        %parallel_loop3A_90 = arith.constant 20480 : i32
        %parallel_loop3A_91 = vector.broadcast %parallel_loop3A_90 : i32 to vector<16xi32>
        %parallel_loop3A_92 = arith.addi %parallel_loop3A_75, %parallel_loop3A_91 : vector<16xi32>
        tpu.vector_store_idx %arg6[%parallel_loop3A_92], %parallel_loop3A_88 {add = true} : memref<40960xf32, #tpu.memory_space<vmem>>[vector<16xi32>], vector<16xf32>,
        %parallel_loop3A_93 = arith.constant 30720 : i32
        %parallel_loop3A_94 = vector.broadcast %parallel_loop3A_93 : i32 to vector<16xi32>
        %parallel_loop3A_95 = arith.addi %parallel_loop3A_75, %parallel_loop3A_94 : vector<16xi32>
        tpu.vector_store_idx %arg6[%parallel_loop3A_95], %parallel_loop3A_89 {add = true} : memref<40960xf32, #tpu.memory_space<vmem>>[vector<16xi32>], vector<16xf32>,
      } {sc.loop_unroll_factor = 4 : i64, sc.parallel_access}
      %mul3A_45 = arith.constant 2 : i32
      %mul3A_46 = arith.muli %scan3A_25, %mul3A_45 : i32
      %add3A_47 = arith.constant 1 : i32
      %add3A_48 = arith.addi %mul3A_46, %add3A_47 : i32
      %add3A_49 = arith.constant 1 : i32
      %add3A_50 = arith.addi %add3A_48, %add3A_49 : i32
      %lt3A_51 = arith.constant 80 : i32
      %lt3A_52 = arith.cmpi slt, %add3A_50, %lt3A_51 : i32
      %convert_element_type3A_53 = arith.extui %lt3A_52 : i1 to i32
      %cond3A_54 = arith.constant 0 : i32
      %cond3A_55 = arith.cmpi ne, %convert_element_type3A_53, %cond3A_54 : i32
      scf.if %cond3A_55 {
        %add3A_67 = arith.constant 1 : i32
        %add3A_68 = arith.addi %add3A_48, %add3A_67 : i32
        %mul3A_69 = arith.constant 8000 : i32
        %mul3A_70 = arith.muli %add3A_68, %mul3A_69 : i32
        %dma_start3A_71 = arith.constant 0 : i32
        %dma_start3A_72 = tpu.memref_slice %arg3[%mul3A_70] : memref<640000xi32, #tpu.memory_space<hbm>> -> memref<8000xi32, #tpu.memory_space<hbm>>
        %dma_start3A_73 = tpu.memref_slice %arg9[%dma_start3A_71] : memref<2x!tpu.dma_semaphore, #tpu.memory_space<semaphore_mem>> -> memref<1x!tpu.dma_semaphore, #tpu.memory_space<semaphore_mem>>
        %dma_start3A_74 = tpu.memref_squeeze %dma_start3A_73 : memref<1x!tpu.dma_semaphore, #tpu.memory_space<semaphore_mem>> -> memref<!tpu.dma_semaphore, #tpu.memory_space<semaphore_mem>>
        %dma_start3A_75 = tpu.memref_slice %arg3[%mul3A_70] : memref<640000xi32, #tpu.memory_space<hbm>> -> memref<8000xi32, #tpu.memory_space<hbm>>
        tpu.enqueue_dma source(%dma_start3A_75 : memref<8000xi32, #tpu.memory_space<hbm>>) target(%arg7 : memref<8000xi32, #tpu.memory_space<vmem>>) target_semaphore(%dma_start3A_74 : memref<!tpu.dma_semaphore, #tpu.memory_space<semaphore_mem>>)
      } else {
      }
      %mul3A_56 = arith.constant 8000 : i32
      %mul3A_57 = arith.muli %add3A_48, %mul3A_56 : i32
      %dma_wait3A_58 = arith.constant 1 : i32
      %dma_wait3A_59 = tpu.memref_slice %arg3[%mul3A_57] : memref<640000xi32, #tpu.memory_space<hbm>> -> memref<8000xi32, #tpu.memory_space<hbm>>
      %dma_wait3A_60 = tpu.memref_slice %arg9[%dma_wait3A_58] : memref<2x!tpu.dma_semaphore, #tpu.memory_space<semaphore_mem>> -> memref<1x!tpu.dma_semaphore, #tpu.memory_space<semaphore_mem>>
      %dma_wait3A_61 = tpu.memref_squeeze %dma_wait3A_60 : memref<1x!tpu.dma_semaphore, #tpu.memory_space<semaphore_mem>> -> memref<!tpu.dma_semaphore, #tpu.memory_space<semaphore_mem>>
      %dma_wait3A_62 = tpu.memref_slice %arg3[%mul3A_57] : memref<640000xi32, #tpu.memory_space<hbm>> -> memref<8000xi32, #tpu.memory_space<hbm>>
      tpu.wait_dma2 semaphore(%dma_wait3A_61 : memref<!tpu.dma_semaphore, #tpu.memory_space<semaphore_mem>>) src(%dma_wait3A_62 : memref<8000xi32, #tpu.memory_space<hbm>>) dst(%arg8 : memref<8000xi32, #tpu.memory_space<vmem>>)
      %parallel_loop3A_63 = arith.constant 0 : i32
      %parallel_loop3A_64 = arith.constant 500 : i32
      %parallel_loop3A_65 = arith.constant 1 : i32
      scf.for %parallel_loop3A_67 = %parallel_loop3A_63 to %parallel_loop3A_64 step %parallel_loop3A_65  : i32 {
        %parallel_loop3A_68 = arith.constant 16 : i32
        %parallel_loop3A_69 = arith.muli %parallel_loop3A_67, %parallel_loop3A_68 : i32
        %parallel_loop3A_70 = arith.index_cast %parallel_loop3A_69 : i32 to index
        %parallel_loop3A_71 = tpu.vector_load %arg8[%parallel_loop3A_70] {strides = array<i32>} : memref<8000xi32, #tpu.memory_space<vmem>>, vector<16xi32>,
        %parallel_loop3A_72 = arith.constant 14 : i32
        %parallel_loop3A_73 = vector.broadcast %parallel_loop3A_72 : i32 to vector<16xi32>
        %parallel_loop3A_74 = arith.shrui %parallel_loop3A_71, %parallel_loop3A_73 : vector<16xi32>
        %parallel_loop3A_75 = arith.andi %parallel_loop3A_71, %broadcast_in_dim3A_18 : vector<16xi32>
        %parallel_loop3A_76 = tpu.vector_load_idx %arg5[%parallel_loop3A_74] : memref<20480xi32, #tpu.memory_space<vmem>>[vector<16xi32>], vector<16xi32>,
        %parallel_loop3A_77 = vector.bitcast %parallel_loop3A_76 : vector<16xi32> to vector<32xbf16>
        %parallel_loop3A_78 = tpu.unpack_subelements %parallel_loop3A_77, 0 {pack_format = #tpu.pack_format<interleaved>} : vector<32xbf16> -> vector<16xf32>
        %parallel_loop3A_79 = tpu.unpack_subelements %parallel_loop3A_77, 1 {pack_format = #tpu.pack_format<interleaved>} : vector<32xbf16> -> vector<16xf32>
        tpu.vector_store_idx %arg6[%parallel_loop3A_75], %parallel_loop3A_78 {add = true} : memref<40960xf32, #tpu.memory_space<vmem>>[vector<16xi32>], vector<16xf32>,
        %parallel_loop3A_80 = arith.constant 10240 : i32
        %parallel_loop3A_81 = vector.broadcast %parallel_loop3A_80 : i32 to vector<16xi32>
        %parallel_loop3A_82 = arith.addi %parallel_loop3A_75, %parallel_loop3A_81 : vector<16xi32>
        tpu.vector_store_idx %arg6[%parallel_loop3A_82], %parallel_loop3A_79 {add = true} : memref<40960xf32, #tpu.memory_space<vmem>>[vector<16xi32>], vector<16xf32>,
        %parallel_loop3A_83 = arith.constant 10240 : i32
        %parallel_loop3A_84 = vector.broadcast %parallel_loop3A_83 : i32 to vector<16xi32>
        %parallel_loop3A_85 = arith.addi %parallel_loop3A_74, %parallel_loop3A_84 : vector<16xi32>
        %parallel_loop3A_86 = tpu.vector_load_idx %arg5[%parallel_loop3A_85] : memref<20480xi32, #tpu.memory_space<vmem>>[vector<16xi32>], vector<16xi32>,
        %parallel_loop3A_87 = vector.bitcast %parallel_loop3A_86 : vector<16xi32> to vector<32xbf16>
        %parallel_loop3A_88 = tpu.unpack_subelements %parallel_loop3A_87, 0 {pack_format = #tpu.pack_format<interleaved>} : vector<32xbf16> -> vector<16xf32>
        %parallel_loop3A_89 = tpu.unpack_subelements %parallel_loop3A_87, 1 {pack_format = #tpu.pack_format<interleaved>} : vector<32xbf16> -> vector<16xf32>
        %parallel_loop3A_90 = arith.constant 20480 : i32
        %parallel_loop3A_91 = vector.broadcast %parallel_loop3A_90 : i32 to vector<16xi32>
        %parallel_loop3A_92 = arith.addi %parallel_loop3A_75, %parallel_loop3A_91 : vector<16xi32>
        tpu.vector_store_idx %arg6[%parallel_loop3A_92], %parallel_loop3A_88 {add = true} : memref<40960xf32, #tpu.memory_space<vmem>>[vector<16xi32>], vector<16xf32>,
        %parallel_loop3A_93 = arith.constant 30720 : i32
        %parallel_loop3A_94 = vector.broadcast %parallel_loop3A_93 : i32 to vector<16xi32>
        %parallel_loop3A_95 = arith.addi %parallel_loop3A_75, %parallel_loop3A_94 : vector<16xi32>
        tpu.vector_store_idx %arg6[%parallel_loop3A_95], %parallel_loop3A_89 {add = true} : memref<40960xf32, #tpu.memory_space<vmem>>[vector<16xi32>], vector<16xf32>,
      } {sc.loop_unroll_factor = 4 : i64, sc.parallel_access}
      %scan3A_66 = arith.constant 0 : i32
      scf.yield %scan3A_66 : i32
    }
    %scan3A_24 = arith.constant 40 : i32
    "tpu.region"() ({
      %run_scoped3A = tpu.sem_alloc : memref<!tpu.dma_semaphore, #tpu.memory_space<semaphore_mem>>
      %dma_start3A_25 = tpu.memref_slice %arg4[%mul3A_2] : memref<1310720xf32, #tpu.memory_space<hbm>> -> memref<40960xf32, #tpu.memory_space<hbm>>
      %dma_start3A_26 = tpu.memref_slice %arg4[%mul3A_2] : memref<1310720xf32, #tpu.memory_space<hbm>> -> memref<40960xf32, #tpu.memory_space<hbm>>
      tpu.enqueue_dma source(%arg6 : memref<40960xf32, #tpu.memory_space<vmem>>) target(%dma_start3A_26 : memref<40960xf32, #tpu.memory_space<hbm>>) target_semaphore(%run_scoped3A : memref<!tpu.dma_semaphore, #tpu.memory_space<semaphore_mem>>)
      %dma_wait3A_27 = tpu.memref_slice %arg4[%mul3A_2] : memref<1310720xf32, #tpu.memory_space<hbm>> -> memref<40960xf32, #tpu.memory_space<hbm>>
      %dma_wait3A_28 = tpu.memref_slice %arg4[%mul3A_2] : memref<1310720xf32, #tpu.memory_space<hbm>> -> memref<40960xf32, #tpu.memory_space<hbm>>
      tpu.wait_dma2 semaphore(%run_scoped3A : memref<!tpu.dma_semaphore, #tpu.memory_space<semaphore_mem>>) src(%arg6 : memref<40960xf32, #tpu.memory_space<vmem>>) dst(%dma_wait3A_28 : memref<40960xf32, #tpu.memory_space<hbm>>)
      tpu.yield
    }) : () -> ()
    return
  }
}

#map = affine_map<(d0, d1) -> (0)>
module attributes {stable_mosaic.version = 14 : i64} {
  func.func @_sc_segsum_body(%arg0: i32, %arg1: i32, %arg2: memref<655360xi32, #tpu.memory_space<hbm>>, %arg3: memref<640000xi32, #tpu.memory_space<hbm>>, %arg4: memref<1310720xf32, #tpu.memory_space<hbm>>, %arg5: memref<20480xi32, #tpu.memory_space<vmem>>, %arg6: memref<40960xf32, #tpu.memory_space<vmem>>, %arg7: memref<8000xi32, #tpu.memory_space<vmem>>, %arg8: memref<8000xi32, #tpu.memory_space<vmem>>, %arg9: memref<2x!tpu.dma_semaphore, #tpu.memory_space<semaphore_mem>>, %arg10: memref<!tpu.dma_semaphore, #tpu.memory_space<semaphore_mem>>) attributes {dimension_semantics = [#tpu.dimension_semantics<core_parallel>, #tpu.dimension_semantics<subcore_parallel>], iteration_bounds = array<i64: 2, 16>, scalar_prefetch = 0 : i64, scratch_operands = 6 : i64, tpu.core_type = #tpu.core_type<sc_vector_subcore>, window_params = [{transform_indices = #map}, {transform_indices = #map}, {transform_indices = #map}]} {
    %mul3A = arith.constant 2 : i32
    %mul3A_0 = arith.muli %arg1, %mul3A : i32
    %add3A = arith.addi %mul3A_0, %arg0 : i32
    %mul3A_1 = arith.constant 40960 : i32
    %mul3A_2 = arith.muli %add3A, %mul3A_1 : i32
    %mul3A_3 = arith.constant 20480 : i32
    %mul3A_4 = arith.muli %add3A, %mul3A_3 : i32
    %dma_start3A = tpu.memref_slice %arg2[%mul3A_4] : memref<655360xi32, #tpu.memory_space<hbm>> -> memref<20480xi32, #tpu.memory_space<hbm>>
    %dma_start3A_5 = tpu.memref_slice %arg2[%mul3A_4] : memref<655360xi32, #tpu.memory_space<hbm>> -> memref<20480xi32, #tpu.memory_space<hbm>>
    tpu.enqueue_dma source(%dma_start3A_5 : memref<20480xi32, #tpu.memory_space<hbm>>) target(%arg5 : memref<20480xi32, #tpu.memory_space<vmem>>) target_semaphore(%arg10 : memref<!tpu.dma_semaphore, #tpu.memory_space<semaphore_mem>>)
    %broadcast_in_dim3A = arith.constant 0.000000e+00 : f32
    %broadcast_in_dim3A_6 = vector.broadcast %broadcast_in_dim3A : f32 to vector<16xf32>
    %parallel_loop3A = arith.constant 0 : i32
    %parallel_loop3A_7 = arith.constant 2560 : i32
    %parallel_loop3A_8 = arith.constant 1 : i32
    scf.for %parallel_loop3A_25 = %parallel_loop3A to %parallel_loop3A_7 step %parallel_loop3A_8  : i32 {
      %parallel_loop3A_26 = arith.constant 16 : i32
      %parallel_loop3A_27 = arith.muli %parallel_loop3A_25, %parallel_loop3A_26 : i32
      %parallel_loop3A_28 = arith.index_cast %parallel_loop3A_27 : i32 to index
      %parallel_loop3A_29 = tpu.vector_load %arg6[%parallel_loop3A_28] {strides = array<i32>} : memref<40960xf32, #tpu.memory_space<vmem>>, vector<16xf32>,
      tpu.vector_store %arg6[%parallel_loop3A_28], %broadcast_in_dim3A_6 {strides = array<i32>} : memref<40960xf32, #tpu.memory_space<vmem>>, vector<16xf32>,
    } {sc.loop_unroll_factor = 8 : i64, sc.parallel_access}
    %dma_wait3A = tpu.memref_slice %arg2[%mul3A_4] : memref<655360xi32, #tpu.memory_space<hbm>> -> memref<20480xi32, #tpu.memory_space<hbm>>
    %dma_wait3A_9 = tpu.memref_slice %arg2[%mul3A_4] : memref<655360xi32, #tpu.memory_space<hbm>> -> memref<20480xi32, #tpu.memory_space<hbm>>
    tpu.wait_dma2 semaphore(%arg10 : memref<!tpu.dma_semaphore, #tpu.memory_space<semaphore_mem>>) src(%dma_wait3A_9 : memref<20480xi32, #tpu.memory_space<hbm>>) dst(%arg5 : memref<20480xi32, #tpu.memory_space<vmem>>)
    %dma_start3A_10 = arith.constant 0 : i32
    %dma_start3A_11 = arith.constant 0 : i32
    %dma_start3A_12 = tpu.memref_slice %arg3[%dma_start3A_11] : memref<640000xi32, #tpu.memory_space<hbm>> -> memref<8000xi32, #tpu.memory_space<hbm>>
    %dma_start3A_13 = tpu.memref_slice %arg9[%dma_start3A_10] : memref<2x!tpu.dma_semaphore, #tpu.memory_space<semaphore_mem>> -> memref<1x!tpu.dma_semaphore, #tpu.memory_space<semaphore_mem>>
    %dma_start3A_14 = tpu.memref_squeeze %dma_start3A_13 : memref<1x!tpu.dma_semaphore, #tpu.memory_space<semaphore_mem>> -> memref<!tpu.dma_semaphore, #tpu.memory_space<semaphore_mem>>
    %dma_start3A_15 = arith.constant 0 : i32
    %dma_start3A_16 = tpu.memref_slice %arg3[%dma_start3A_15] : memref<640000xi32, #tpu.memory_space<hbm>> -> memref<8000xi32, #tpu.memory_space<hbm>>
    tpu.enqueue_dma source(%dma_start3A_16 : memref<8000xi32, #tpu.memory_space<hbm>>) target(%arg7 : memref<8000xi32, #tpu.memory_space<vmem>>) target_semaphore(%dma_start3A_14 : memref<!tpu.dma_semaphore, #tpu.memory_space<semaphore_mem>>)
    %broadcast_in_dim3A_17 = arith.constant 16383 : i32
    %broadcast_in_dim3A_18 = vector.broadcast %broadcast_in_dim3A_17 : i32 to vector<16xi32>
    %scan3A = arith.constant 0 : i32
    %scan3A_19 = arith.constant 0 : i32
    %scan3A_20 = arith.constant 40 : i32
    %scan3A_21 = arith.addi %scan3A_19, %scan3A_20 : i32
    %scan3A_22 = arith.constant 1 : i32
    %scan3A_23 = scf.for %scan3A_25 = %scan3A_19 to %scan3A_21 step %scan3A_22 iter_args(%scan3A_26 = %scan3A) -> (i32)  : i32 {
      %mul3A_27 = arith.constant 2 : i32
      %mul3A_28 = arith.muli %scan3A_25, %mul3A_27 : i32
      %add3A_29 = arith.constant 0 : i32
      %add3A_30 = arith.addi %mul3A_28, %add3A_29 : i32
      %add3A_31 = arith.constant 1 : i32
      %add3A_32 = arith.addi %add3A_30, %add3A_31 : i32
      %lt3A = arith.constant 80 : i32
      %lt3A_33 = arith.cmpi slt, %add3A_32, %lt3A : i32
      %convert_element_type3A = arith.extui %lt3A_33 : i1 to i32
      %cond3A = arith.constant 0 : i32
      %cond3A_34 = arith.cmpi ne, %convert_element_type3A, %cond3A : i32
      scf.if %cond3A_34 {
        %add3A_67 = arith.constant 1 : i32
        %add3A_68 = arith.addi %add3A_30, %add3A_67 : i32
        %mul3A_69 = arith.constant 8000 : i32
        %mul3A_70 = arith.muli %add3A_68, %mul3A_69 : i32
        %dma_start3A_71 = arith.constant 1 : i32
        %dma_start3A_72 = tpu.memref_slice %arg3[%mul3A_70] : memref<640000xi32, #tpu.memory_space<hbm>> -> memref<8000xi32, #tpu.memory_space<hbm>>
        %dma_start3A_73 = tpu.memref_slice %arg9[%dma_start3A_71] : memref<2x!tpu.dma_semaphore, #tpu.memory_space<semaphore_mem>> -> memref<1x!tpu.dma_semaphore, #tpu.memory_space<semaphore_mem>>
        %dma_start3A_74 = tpu.memref_squeeze %dma_start3A_73 : memref<1x!tpu.dma_semaphore, #tpu.memory_space<semaphore_mem>> -> memref<!tpu.dma_semaphore, #tpu.memory_space<semaphore_mem>>
        %dma_start3A_75 = tpu.memref_slice %arg3[%mul3A_70] : memref<640000xi32, #tpu.memory_space<hbm>> -> memref<8000xi32, #tpu.memory_space<hbm>>
        tpu.enqueue_dma source(%dma_start3A_75 : memref<8000xi32, #tpu.memory_space<hbm>>) target(%arg8 : memref<8000xi32, #tpu.memory_space<vmem>>) target_semaphore(%dma_start3A_74 : memref<!tpu.dma_semaphore, #tpu.memory_space<semaphore_mem>>)
      } else {
      }
      %mul3A_35 = arith.constant 8000 : i32
      %mul3A_36 = arith.muli %add3A_30, %mul3A_35 : i32
      %dma_wait3A_37 = arith.constant 0 : i32
      %dma_wait3A_38 = tpu.memref_slice %arg3[%mul3A_36] : memref<640000xi32, #tpu.memory_space<hbm>> -> memref<8000xi32, #tpu.memory_space<hbm>>
      %dma_wait3A_39 = tpu.memref_slice %arg9[%dma_wait3A_37] : memref<2x!tpu.dma_semaphore, #tpu.memory_space<semaphore_mem>> -> memref<1x!tpu.dma_semaphore, #tpu.memory_space<semaphore_mem>>
      %dma_wait3A_40 = tpu.memref_squeeze %dma_wait3A_39 : memref<1x!tpu.dma_semaphore, #tpu.memory_space<semaphore_mem>> -> memref<!tpu.dma_semaphore, #tpu.memory_space<semaphore_mem>>
      %dma_wait3A_41 = tpu.memref_slice %arg3[%mul3A_36] : memref<640000xi32, #tpu.memory_space<hbm>> -> memref<8000xi32, #tpu.memory_space<hbm>>
      tpu.wait_dma2 semaphore(%dma_wait3A_40 : memref<!tpu.dma_semaphore, #tpu.memory_space<semaphore_mem>>) src(%dma_wait3A_41 : memref<8000xi32, #tpu.memory_space<hbm>>) dst(%arg7 : memref<8000xi32, #tpu.memory_space<vmem>>)
      %parallel_loop3A_42 = arith.constant 0 : i32
      %parallel_loop3A_43 = arith.constant 500 : i32
      %parallel_loop3A_44 = arith.constant 1 : i32
      scf.for %parallel_loop3A_67 = %parallel_loop3A_42 to %parallel_loop3A_43 step %parallel_loop3A_44  : i32 {
        %parallel_loop3A_68 = arith.constant 16 : i32
        %parallel_loop3A_69 = arith.muli %parallel_loop3A_67, %parallel_loop3A_68 : i32
        %parallel_loop3A_70 = arith.index_cast %parallel_loop3A_69 : i32 to index
        %parallel_loop3A_71 = tpu.vector_load %arg7[%parallel_loop3A_70] {strides = array<i32>} : memref<8000xi32, #tpu.memory_space<vmem>>, vector<16xi32>,
        %parallel_loop3A_72 = arith.constant 14 : i32
        %parallel_loop3A_73 = vector.broadcast %parallel_loop3A_72 : i32 to vector<16xi32>
        %parallel_loop3A_74 = arith.shrui %parallel_loop3A_71, %parallel_loop3A_73 : vector<16xi32>
        %parallel_loop3A_75 = arith.andi %parallel_loop3A_71, %broadcast_in_dim3A_18 : vector<16xi32>
        %parallel_loop3A_76 = tpu.vector_load_idx %arg5[%parallel_loop3A_74] : memref<20480xi32, #tpu.memory_space<vmem>>[vector<16xi32>], vector<16xi32>,
        %parallel_loop3A_77 = vector.bitcast %parallel_loop3A_76 : vector<16xi32> to vector<32xbf16>
        %parallel_loop3A_78 = tpu.unpack_subelements %parallel_loop3A_77, 0 {pack_format = #tpu.pack_format<interleaved>} : vector<32xbf16> -> vector<16xf32>
        %parallel_loop3A_79 = tpu.unpack_subelements %parallel_loop3A_77, 1 {pack_format = #tpu.pack_format<interleaved>} : vector<32xbf16> -> vector<16xf32>
        tpu.vector_store_idx %arg6[%parallel_loop3A_75], %parallel_loop3A_78 {add = true} : memref<40960xf32, #tpu.memory_space<vmem>>[vector<16xi32>], vector<16xf32>,
        %parallel_loop3A_80 = arith.constant 10240 : i32
        %parallel_loop3A_81 = vector.broadcast %parallel_loop3A_80 : i32 to vector<16xi32>
        %parallel_loop3A_82 = arith.addi %parallel_loop3A_75, %parallel_loop3A_81 : vector<16xi32>
        tpu.vector_store_idx %arg6[%parallel_loop3A_82], %parallel_loop3A_79 {add = true} : memref<40960xf32, #tpu.memory_space<vmem>>[vector<16xi32>], vector<16xf32>,
        %parallel_loop3A_83 = arith.constant 10240 : i32
        %parallel_loop3A_84 = vector.broadcast %parallel_loop3A_83 : i32 to vector<16xi32>
        %parallel_loop3A_85 = arith.addi %parallel_loop3A_74, %parallel_loop3A_84 : vector<16xi32>
        %parallel_loop3A_86 = tpu.vector_load_idx %arg5[%parallel_loop3A_85] : memref<20480xi32, #tpu.memory_space<vmem>>[vector<16xi32>], vector<16xi32>,
        %parallel_loop3A_87 = vector.bitcast %parallel_loop3A_86 : vector<16xi32> to vector<32xbf16>
        %parallel_loop3A_88 = tpu.unpack_subelements %parallel_loop3A_87, 0 {pack_format = #tpu.pack_format<interleaved>} : vector<32xbf16> -> vector<16xf32>
        %parallel_loop3A_89 = tpu.unpack_subelements %parallel_loop3A_87, 1 {pack_format = #tpu.pack_format<interleaved>} : vector<32xbf16> -> vector<16xf32>
        %parallel_loop3A_90 = arith.constant 20480 : i32
        %parallel_loop3A_91 = vector.broadcast %parallel_loop3A_90 : i32 to vector<16xi32>
        %parallel_loop3A_92 = arith.addi %parallel_loop3A_75, %parallel_loop3A_91 : vector<16xi32>
        tpu.vector_store_idx %arg6[%parallel_loop3A_92], %parallel_loop3A_88 {add = true} : memref<40960xf32, #tpu.memory_space<vmem>>[vector<16xi32>], vector<16xf32>,
        %parallel_loop3A_93 = arith.constant 30720 : i32
        %parallel_loop3A_94 = vector.broadcast %parallel_loop3A_93 : i32 to vector<16xi32>
        %parallel_loop3A_95 = arith.addi %parallel_loop3A_75, %parallel_loop3A_94 : vector<16xi32>
        tpu.vector_store_idx %arg6[%parallel_loop3A_95], %parallel_loop3A_89 {add = true} : memref<40960xf32, #tpu.memory_space<vmem>>[vector<16xi32>], vector<16xf32>,
      } {sc.loop_unroll_factor = 4 : i64, sc.parallel_access}
      %mul3A_45 = arith.constant 2 : i32
      %mul3A_46 = arith.muli %scan3A_25, %mul3A_45 : i32
      %add3A_47 = arith.constant 1 : i32
      %add3A_48 = arith.addi %mul3A_46, %add3A_47 : i32
      %add3A_49 = arith.constant 1 : i32
      %add3A_50 = arith.addi %add3A_48, %add3A_49 : i32
      %lt3A_51 = arith.constant 80 : i32
      %lt3A_52 = arith.cmpi slt, %add3A_50, %lt3A_51 : i32
      %convert_element_type3A_53 = arith.extui %lt3A_52 : i1 to i32
      %cond3A_54 = arith.constant 0 : i32
      %cond3A_55 = arith.cmpi ne, %convert_element_type3A_53, %cond3A_54 : i32
      scf.if %cond3A_55 {
        %add3A_67 = arith.constant 1 : i32
        %add3A_68 = arith.addi %add3A_48, %add3A_67 : i32
        %mul3A_69 = arith.constant 8000 : i32
        %mul3A_70 = arith.muli %add3A_68, %mul3A_69 : i32
        %dma_start3A_71 = arith.constant 0 : i32
        %dma_start3A_72 = tpu.memref_slice %arg3[%mul3A_70] : memref<640000xi32, #tpu.memory_space<hbm>> -> memref<8000xi32, #tpu.memory_space<hbm>>
        %dma_start3A_73 = tpu.memref_slice %arg9[%dma_start3A_71] : memref<2x!tpu.dma_semaphore, #tpu.memory_space<semaphore_mem>> -> memref<1x!tpu.dma_semaphore, #tpu.memory_space<semaphore_mem>>
        %dma_start3A_74 = tpu.memref_squeeze %dma_start3A_73 : memref<1x!tpu.dma_semaphore, #tpu.memory_space<semaphore_mem>> -> memref<!tpu.dma_semaphore, #tpu.memory_space<semaphore_mem>>
        %dma_start3A_75 = tpu.memref_slice %arg3[%mul3A_70] : memref<640000xi32, #tpu.memory_space<hbm>> -> memref<8000xi32, #tpu.memory_space<hbm>>
        tpu.enqueue_dma source(%dma_start3A_75 : memref<8000xi32, #tpu.memory_space<hbm>>) target(%arg7 : memref<8000xi32, #tpu.memory_space<vmem>>) target_semaphore(%dma_start3A_74 : memref<!tpu.dma_semaphore, #tpu.memory_space<semaphore_mem>>)
      } else {
      }
      %mul3A_56 = arith.constant 8000 : i32
      %mul3A_57 = arith.muli %add3A_48, %mul3A_56 : i32
      %dma_wait3A_58 = arith.constant 1 : i32
      %dma_wait3A_59 = tpu.memref_slice %arg3[%mul3A_57] : memref<640000xi32, #tpu.memory_space<hbm>> -> memref<8000xi32, #tpu.memory_space<hbm>>
      %dma_wait3A_60 = tpu.memref_slice %arg9[%dma_wait3A_58] : memref<2x!tpu.dma_semaphore, #tpu.memory_space<semaphore_mem>> -> memref<1x!tpu.dma_semaphore, #tpu.memory_space<semaphore_mem>>
      %dma_wait3A_61 = tpu.memref_squeeze %dma_wait3A_60 : memref<1x!tpu.dma_semaphore, #tpu.memory_space<semaphore_mem>> -> memref<!tpu.dma_semaphore, #tpu.memory_space<semaphore_mem>>
      %dma_wait3A_62 = tpu.memref_slice %arg3[%mul3A_57] : memref<640000xi32, #tpu.memory_space<hbm>> -> memref<8000xi32, #tpu.memory_space<hbm>>
      tpu.wait_dma2 semaphore(%dma_wait3A_61 : memref<!tpu.dma_semaphore, #tpu.memory_space<semaphore_mem>>) src(%dma_wait3A_62 : memref<8000xi32, #tpu.memory_space<hbm>>) dst(%arg8 : memref<8000xi32, #tpu.memory_space<vmem>>)
      %parallel_loop3A_63 = arith.constant 0 : i32
      %parallel_loop3A_64 = arith.constant 500 : i32
      %parallel_loop3A_65 = arith.constant 1 : i32
      scf.for %parallel_loop3A_67 = %parallel_loop3A_63 to %parallel_loop3A_64 step %parallel_loop3A_65  : i32 {
        %parallel_loop3A_68 = arith.constant 16 : i32
        %parallel_loop3A_69 = arith.muli %parallel_loop3A_67, %parallel_loop3A_68 : i32
        %parallel_loop3A_70 = arith.index_cast %parallel_loop3A_69 : i32 to index
        %parallel_loop3A_71 = tpu.vector_load %arg8[%parallel_loop3A_70] {strides = array<i32>} : memref<8000xi32, #tpu.memory_space<vmem>>, vector<16xi32>,
        %parallel_loop3A_72 = arith.constant 14 : i32
        %parallel_loop3A_73 = vector.broadcast %parallel_loop3A_72 : i32 to vector<16xi32>
        %parallel_loop3A_74 = arith.shrui %parallel_loop3A_71, %parallel_loop3A_73 : vector<16xi32>
        %parallel_loop3A_75 = arith.andi %parallel_loop3A_71, %broadcast_in_dim3A_18 : vector<16xi32>
        %parallel_loop3A_76 = tpu.vector_load_idx %arg5[%parallel_loop3A_74] : memref<20480xi32, #tpu.memory_space<vmem>>[vector<16xi32>], vector<16xi32>,
        %parallel_loop3A_77 = vector.bitcast %parallel_loop3A_76 : vector<16xi32> to vector<32xbf16>
        %parallel_loop3A_78 = tpu.unpack_subelements %parallel_loop3A_77, 0 {pack_format = #tpu.pack_format<interleaved>} : vector<32xbf16> -> vector<16xf32>
        %parallel_loop3A_79 = tpu.unpack_subelements %parallel_loop3A_77, 1 {pack_format = #tpu.pack_format<interleaved>} : vector<32xbf16> -> vector<16xf32>
        tpu.vector_store_idx %arg6[%parallel_loop3A_75], %parallel_loop3A_78 {add = true} : memref<40960xf32, #tpu.memory_space<vmem>>[vector<16xi32>], vector<16xf32>,
        %parallel_loop3A_80 = arith.constant 10240 : i32
        %parallel_loop3A_81 = vector.broadcast %parallel_loop3A_80 : i32 to vector<16xi32>
        %parallel_loop3A_82 = arith.addi %parallel_loop3A_75, %parallel_loop3A_81 : vector<16xi32>
        tpu.vector_store_idx %arg6[%parallel_loop3A_82], %parallel_loop3A_79 {add = true} : memref<40960xf32, #tpu.memory_space<vmem>>[vector<16xi32>], vector<16xf32>,
        %parallel_loop3A_83 = arith.constant 10240 : i32
        %parallel_loop3A_84 = vector.broadcast %parallel_loop3A_83 : i32 to vector<16xi32>
        %parallel_loop3A_85 = arith.addi %parallel_loop3A_74, %parallel_loop3A_84 : vector<16xi32>
        %parallel_loop3A_86 = tpu.vector_load_idx %arg5[%parallel_loop3A_85] : memref<20480xi32, #tpu.memory_space<vmem>>[vector<16xi32>], vector<16xi32>,
        %parallel_loop3A_87 = vector.bitcast %parallel_loop3A_86 : vector<16xi32> to vector<32xbf16>
        %parallel_loop3A_88 = tpu.unpack_subelements %parallel_loop3A_87, 0 {pack_format = #tpu.pack_format<interleaved>} : vector<32xbf16> -> vector<16xf32>
        %parallel_loop3A_89 = tpu.unpack_subelements %parallel_loop3A_87, 1 {pack_format = #tpu.pack_format<interleaved>} : vector<32xbf16> -> vector<16xf32>
        %parallel_loop3A_90 = arith.constant 20480 : i32
        %parallel_loop3A_91 = vector.broadcast %parallel_loop3A_90 : i32 to vector<16xi32>
        %parallel_loop3A_92 = arith.addi %parallel_loop3A_75, %parallel_loop3A_91 : vector<16xi32>
        tpu.vector_store_idx %arg6[%parallel_loop3A_92], %parallel_loop3A_88 {add = true} : memref<40960xf32, #tpu.memory_space<vmem>>[vector<16xi32>], vector<16xf32>,
        %parallel_loop3A_93 = arith.constant 30720 : i32
        %parallel_loop3A_94 = vector.broadcast %parallel_loop3A_93 : i32 to vector<16xi32>
        %parallel_loop3A_95 = arith.addi %parallel_loop3A_75, %parallel_loop3A_94 : vector<16xi32>
        tpu.vector_store_idx %arg6[%parallel_loop3A_95], %parallel_loop3A_89 {add = true} : memref<40960xf32, #tpu.memory_space<vmem>>[vector<16xi32>], vector<16xf32>,
      } {sc.loop_unroll_factor = 4 : i64, sc.parallel_access}
      %scan3A_66 = arith.constant 0 : i32
      scf.yield %scan3A_66 : i32
    }
    %scan3A_24 = arith.constant 40 : i32
    "tpu.region"() ({
      %run_scoped3A = tpu.sem_alloc : memref<!tpu.dma_semaphore, #tpu.memory_space<semaphore_mem>>
      %dma_start3A_25 = tpu.memref_slice %arg4[%mul3A_2] : memref<1310720xf32, #tpu.memory_space<hbm>> -> memref<40960xf32, #tpu.memory_space<hbm>>
      %dma_start3A_26 = tpu.memref_slice %arg4[%mul3A_2] : memref<1310720xf32, #tpu.memory_space<hbm>> -> memref<40960xf32, #tpu.memory_space<hbm>>
      tpu.enqueue_dma source(%arg6 : memref<40960xf32, #tpu.memory_space<vmem>>) target(%dma_start3A_26 : memref<40960xf32, #tpu.memory_space<hbm>>) target_semaphore(%run_scoped3A : memref<!tpu.dma_semaphore, #tpu.memory_space<semaphore_mem>>)
      %dma_wait3A_27 = tpu.memref_slice %arg4[%mul3A_2] : memref<1310720xf32, #tpu.memory_space<hbm>> -> memref<40960xf32, #tpu.memory_space<hbm>>
      %dma_wait3A_28 = tpu.memref_slice %arg4[%mul3A_2] : memref<1310720xf32, #tpu.memory_space<hbm>> -> memref<40960xf32, #tpu.memory_space<hbm>>
      tpu.wait_dma2 semaphore(%run_scoped3A : memref<!tpu.dma_semaphore, #tpu.memory_space<semaphore_mem>>) src(%arg6 : memref<40960xf32, #tpu.memory_space<vmem>>) dst(%dma_wait3A_28 : memref<40960xf32, #tpu.memory_space<hbm>>)
      tpu.yield
    }) : () -> ()
    return
  }
}

module attributes {stable_mosaic.version = 14 : i64} {
  func.func @_k1_body(%arg0: i32, %arg1: memref<128x128xf32, #tpu.memory_space<vmem>>, %arg2: memref<1024x128xf32, #tpu.memory_space<vmem>>, %arg3: memref<64x1024xi32, #tpu.memory_space<vmem>>) attributes {dimension_semantics = [#tpu.dimension_semantics<arbitrary>], iteration_bounds = array<i64: 10>, scalar_prefetch = 0 : i64, scratch_operands = 0 : i64, tpu.core_type = #tpu.core_type<tc>, window_params = [{pipeline_mode = #tpu.pipeline_mode<synchronous>, transform_indices = @transform_0, window_bounds = array<i64: 128, 128>}, {transform_indices = @transform_1, window_bounds = array<i64: 1024, 128>}, {transform_indices = @transform_2, window_bounds = array<i64: 64, 1024>}]} {
    %get3A = arith.constant 0 : index
    %get3A_0 = arith.constant 0 : index
    %get3A_1 = vector.load %arg1[%get3A, %get3A_0] : memref<128x128xf32, #tpu.memory_space<vmem>>, vector<128x128xf32>
    %get3A_2 = arith.constant 0 : index
    %get3A_3 = arith.constant 0 : index
    %get3A_4 = vector.load %arg2[%get3A_2, %get3A_3] : memref<1024x128xf32, #tpu.memory_space<vmem>>, vector<1024x128xf32>
    %dot_general3A = arith.constant dense<0.000000e+00> : vector<128x1024xf32>
    %dot_general3A_5 = tpu.matmul %get3A_1, %get3A_4, %dot_general3A {dimension_numbers = #tpu.dot_dimension_numbers<[1], [1], [0], [0], [0, 0, 1, 0], [], []>, transpose_lhs_hint = false} : vector<128x128xf32>, vector<1024x128xf32>, vector<128x1024xf32> -> vector<128x1024xf32>
    %iota3A = tpu.iota {dimensions = array<i32: 0>} : vector<128x1024xi32>
    %eq3A = arith.constant 63 : i32
    %eq3A_6 = vector.broadcast %eq3A : i32 to vector<128x1024xi32>
    %eq3A_7 = arith.cmpi eq, %iota3A, %eq3A_6 : vector<128x1024xi32>
    %jit3A = arith.constant 1.000000e+00 : f32
    %broadcast_in_dim3A = vector.broadcast %jit3A : f32 to vector<128x1024xf32>
    %select_n3A = arith.select %eq3A_7, %broadcast_in_dim3A, %dot_general3A_5 : vector<128x1024xi1>, vector<128x1024xf32>
    %slice3A = vector.extract_strided_slice %select_n3A {offsets = [0, 0], sizes = [64, 1024], strides = [1, 1]} : vector<128x1024xf32> to vector<64x1024xf32>
    %convert_element_type3A = arith.truncf %slice3A : vector<64x1024xf32> to vector<64x1024xbf16>
    %bitcast_convert_type3A = tpu.bitcast %convert_element_type3A : vector<64x1024xbf16> -> vector<64x1024xi16>
    %slice3A_8 = vector.extract_strided_slice %select_n3A {offsets = [64, 0], sizes = [64, 1024], strides = [1, 1]} : vector<128x1024xf32> to vector<64x1024xf32>
    %convert_element_type3A_9 = arith.truncf %slice3A_8 : vector<64x1024xf32> to vector<64x1024xbf16>
    %bitcast_convert_type3A_10 = tpu.bitcast %convert_element_type3A_9 : vector<64x1024xbf16> -> vector<64x1024xi16>
    %convert_element_type3A_11 = arith.extui %bitcast_convert_type3A_10 : vector<64x1024xi16> to vector<64x1024xi32>
    %shift_left3A = arith.constant 16 : i32
    %shift_left3A_12 = vector.broadcast %shift_left3A : i32 to vector<64x1024xi32>
    %shift_left3A_13 = arith.shli %convert_element_type3A_11, %shift_left3A_12 : vector<64x1024xi32>
    %convert_element_type3A_14 = arith.extui %bitcast_convert_type3A : vector<64x1024xi16> to vector<64x1024xi32>
    %or3A = arith.ori %shift_left3A_13, %convert_element_type3A_14 : vector<64x1024xi32>
    %bitcast_convert_type3A_15 = tpu.bitcast %or3A : vector<64x1024xi32> -> vector<64x1024xi32>
    %swap3A = arith.constant 0 : index
    %swap3A_16 = arith.constant 0 : index
    %swap3A_17 = vector.load %arg3[%swap3A, %swap3A_16] : memref<64x1024xi32, #tpu.memory_space<vmem>>, vector<64x1024xi32>
    tpu.vector_store %arg3[%swap3A, %swap3A_16], %bitcast_convert_type3A_15 {strides = array<i32>} : memref<64x1024xi32, #tpu.memory_space<vmem>>, vector<64x1024xi32>,
    return
  }
  func.func @transform_0(%arg0: i32) -> (i32, i32) {
    %c0_i32 = arith.constant 0 : i32
    %c0_i32_0 = arith.constant 0 : i32
    %c0_i32_1 = arith.constant 0 : i32
    return %c0_i32, %c0_i32_0 : i32, i32
  }
  func.func @transform_1(%arg0: i32) -> (i32, i32) {
    %c0_i32 = arith.constant 0 : i32
    %c0_i32_0 = arith.constant 0 : i32
    return %arg0, %c0_i32 : i32, i32
  }
  func.func @transform_2(%arg0: i32) -> (i32, i32) {
    %c0_i32 = arith.constant 0 : i32
    %c0_i32_0 = arith.constant 0 : i32
    return %c0_i32, %arg0 : i32, i32
  }
}

module attributes {stable_mosaic.version = 14 : i64} {
  func.func @_k2_body(%arg0: i32, %arg1: memref<128x1024xf32, #tpu.memory_space<vmem>>, %arg2: memref<1024x128xf32, #tpu.memory_space<vmem>>, %arg3: memref<128x128xf32, #tpu.memory_space<vmem>>, %arg4: memref<128x128xf32, #tpu.memory_space<vmem>>, %arg5: memref<128x1xf32, #tpu.memory_space<vmem>>, %arg6: memref<128x1xf32, #tpu.memory_space<vmem>>, %arg7: memref<128x1024xf32, #tpu.memory_space<vmem>>, %arg8: memref<64x1024xi32, #tpu.memory_space<vmem>>) attributes {dimension_semantics = [#tpu.dimension_semantics<arbitrary>], iteration_bounds = array<i64: 10>, scalar_prefetch = 0 : i64, scratch_operands = 0 : i64, tpu.core_type = #tpu.core_type<tc>, window_params = [{transform_indices = @transform_0, window_bounds = array<i64: 128, 1024>}, {transform_indices = @transform_1, window_bounds = array<i64: 1024, 128>}, {pipeline_mode = #tpu.pipeline_mode<synchronous>, transform_indices = @transform_2, window_bounds = array<i64: 128, 128>}, {pipeline_mode = #tpu.pipeline_mode<synchronous>, transform_indices = @transform_3, window_bounds = array<i64: 128, 128>}, {pipeline_mode = #tpu.pipeline_mode<synchronous>, transform_indices = @transform_4, window_bounds = array<i64: 128, 1>}, {pipeline_mode = #tpu.pipeline_mode<synchronous>, transform_indices = @transform_5, window_bounds = array<i64: 128, 1>}, {transform_indices = @transform_6, window_bounds = array<i64: 128, 1024>}, {transform_indices = @transform_7, window_bounds = array<i64: 64, 1024>}]} {
    %get3A = arith.constant 0 : index
    %get3A_0 = arith.constant 0 : index
    %get3A_1 = vector.load %arg1[%get3A, %get3A_0] : memref<128x1024xf32, #tpu.memory_space<vmem>>, vector<128x1024xf32>
    %slice3A = vector.extract_strided_slice %get3A_1 {offsets = [126, 0], sizes = [1, 1024], strides = [1, 1]} : vector<128x1024xf32> to vector<1x1024xf32>
    %max3A = arith.constant 1.000000e+00 : f32
    %max3A_2 = vector.broadcast %max3A : f32 to vector<1x1024xf32>
    %max3A_3 = arith.maximumf %slice3A, %max3A_2 : vector<1x1024xf32>
    %div3A = arith.constant 1.000000e+00 : f32
    %div3A_4 = vector.broadcast %div3A : f32 to vector<1x1024xf32>
    %div3A_5 = arith.divf %div3A_4, %max3A_3 : vector<1x1024xf32>
    %get3A_6 = arith.constant 0 : index
    %get3A_7 = arith.constant 0 : index
    %get3A_8 = vector.load %arg3[%get3A_6, %get3A_7] : memref<128x128xf32, #tpu.memory_space<vmem>>, vector<128x128xf32>
    %get3A_9 = arith.constant 0 : index
    %get3A_10 = arith.constant 0 : index
    %get3A_11 = vector.load %arg2[%get3A_9, %get3A_10] : memref<1024x128xf32, #tpu.memory_space<vmem>>, vector<1024x128xf32>
    %dot_general3A = arith.constant dense<0.000000e+00> : vector<128x1024xf32>
    %dot_general3A_12 = tpu.matmul %get3A_8, %get3A_11, %dot_general3A {dimension_numbers = #tpu.dot_dimension_numbers<[1], [1], [0], [0], [0, 0, 1, 0], [], []>, transpose_lhs_hint = false} : vector<128x128xf32>, vector<1024x128xf32>, vector<128x1024xf32> -> vector<128x1024xf32>
    %mul3A = vector.broadcast %div3A_5 : vector<1x1024xf32> to vector<128x1024xf32>
    %mul3A_13 = arith.mulf %get3A_1, %mul3A : vector<128x1024xf32>
    %add3A = arith.addf %mul3A_13, %dot_general3A_12 : vector<128x1024xf32>
    %get3A_14 = arith.constant 0 : index
    %get3A_15 = arith.constant 0 : index
    %get3A_16 = vector.load %arg5[%get3A_14, %get3A_15] : memref<128x1xf32, #tpu.memory_space<vmem>>, vector<128x1xf32>
    %mul3A_17 = vector.broadcast %get3A_16 : vector<128x1xf32> to vector<128x1024xf32>
    %mul3A_18 = arith.mulf %add3A, %mul3A_17 : vector<128x1024xf32>
    %get3A_19 = arith.constant 0 : index
    %get3A_20 = arith.constant 0 : index
    %get3A_21 = vector.load %arg6[%get3A_19, %get3A_20] : memref<128x1xf32, #tpu.memory_space<vmem>>, vector<128x1xf32>
    %add3A_22 = vector.broadcast %get3A_21 : vector<128x1xf32> to vector<128x1024xf32>
    %add3A_23 = arith.addf %mul3A_18, %add3A_22 : vector<128x1024xf32>
    %max3A_24 = arith.constant 0.000000e+00 : f32
    %max3A_25 = vector.broadcast %max3A_24 : f32 to vector<128x1024xf32>
    %max3A_26 = arith.maximumf %add3A_23, %max3A_25 : vector<128x1024xf32>
    %swap3A = arith.constant 0 : index
    %swap3A_27 = arith.constant 0 : index
    %swap3A_28 = vector.load %arg7[%swap3A, %swap3A_27] : memref<128x1024xf32, #tpu.memory_space<vmem>>, vector<128x1024xf32>
    tpu.vector_store %arg7[%swap3A, %swap3A_27], %max3A_26 {strides = array<i32>} : memref<128x1024xf32, #tpu.memory_space<vmem>>, vector<128x1024xf32>,
    %get3A_29 = arith.constant 0 : index
    %get3A_30 = arith.constant 0 : index
    %get3A_31 = vector.load %arg4[%get3A_29, %get3A_30] : memref<128x128xf32, #tpu.memory_space<vmem>>, vector<128x128xf32>
    %dot_general3A_32 = arith.constant dense<0.000000e+00> : vector<128x1024xf32>
    %dot_general3A_33 = tpu.matmul %get3A_31, %max3A_26, %dot_general3A_32 {dimension_numbers = #tpu.dot_dimension_numbers<[1], [0], [0], [1], [0, 0, 1, 1], [], []>, transpose_lhs_hint = false} : vector<128x128xf32>, vector<128x1024xf32>, vector<128x1024xf32> -> vector<128x1024xf32>
    %slice3A_34 = vector.extract_strided_slice %dot_general3A_33 {offsets = [0, 0], sizes = [64, 1024], strides = [1, 1]} : vector<128x1024xf32> to vector<64x1024xf32>
    %convert_element_type3A = arith.truncf %slice3A_34 : vector<64x1024xf32> to vector<64x1024xbf16>
    %bitcast_convert_type3A = tpu.bitcast %convert_element_type3A : vector<64x1024xbf16> -> vector<64x1024xi16>
    %slice3A_35 = vector.extract_strided_slice %dot_general3A_33 {offsets = [64, 0], sizes = [64, 1024], strides = [1, 1]} : vector<128x1024xf32> to vector<64x1024xf32>
    %convert_element_type3A_36 = arith.truncf %slice3A_35 : vector<64x1024xf32> to vector<64x1024xbf16>
    %bitcast_convert_type3A_37 = tpu.bitcast %convert_element_type3A_36 : vector<64x1024xbf16> -> vector<64x1024xi16>
    %convert_element_type3A_38 = arith.extui %bitcast_convert_type3A_37 : vector<64x1024xi16> to vector<64x1024xi32>
    %shift_left3A = arith.constant 16 : i32
    %shift_left3A_39 = vector.broadcast %shift_left3A : i32 to vector<64x1024xi32>
    %shift_left3A_40 = arith.shli %convert_element_type3A_38, %shift_left3A_39 : vector<64x1024xi32>
    %convert_element_type3A_41 = arith.extui %bitcast_convert_type3A : vector<64x1024xi16> to vector<64x1024xi32>
    %or3A = arith.ori %shift_left3A_40, %convert_element_type3A_41 : vector<64x1024xi32>
    %bitcast_convert_type3A_42 = tpu.bitcast %or3A : vector<64x1024xi32> -> vector<64x1024xi32>
    %swap3A_43 = arith.constant 0 : index
    %swap3A_44 = arith.constant 0 : index
    %swap3A_45 = vector.load %arg8[%swap3A_43, %swap3A_44] : memref<64x1024xi32, #tpu.memory_space<vmem>>, vector<64x1024xi32>
    tpu.vector_store %arg8[%swap3A_43, %swap3A_44], %bitcast_convert_type3A_42 {strides = array<i32>} : memref<64x1024xi32, #tpu.memory_space<vmem>>, vector<64x1024xi32>,
    return
  }
  func.func @transform_0(%arg0: i32) -> (i32, i32) {
    %c0_i32 = arith.constant 0 : i32
    %c0_i32_0 = arith.constant 0 : i32
    return %c0_i32, %arg0 : i32, i32
  }
  func.func @transform_1(%arg0: i32) -> (i32, i32) {
    %c0_i32 = arith.constant 0 : i32
    %c0_i32_0 = arith.constant 0 : i32
    return %arg0, %c0_i32 : i32, i32
  }
  func.func @transform_2(%arg0: i32) -> (i32, i32) {
    %c0_i32 = arith.constant 0 : i32
    %c0_i32_0 = arith.constant 0 : i32
    %c0_i32_1 = arith.constant 0 : i32
    return %c0_i32, %c0_i32_0 : i32, i32
  }
  func.func @transform_3(%arg0: i32) -> (i32, i32) {
    %c0_i32 = arith.constant 0 : i32
    %c0_i32_0 = arith.constant 0 : i32
    %c0_i32_1 = arith.constant 0 : i32
    return %c0_i32, %c0_i32_0 : i32, i32
  }
  func.func @transform_4(%arg0: i32) -> (i32, i32) {
    %c0_i32 = arith.constant 0 : i32
    %c0_i32_0 = arith.constant 0 : i32
    %c0_i32_1 = arith.constant 0 : i32
    return %c0_i32, %c0_i32_0 : i32, i32
  }
  func.func @transform_5(%arg0: i32) -> (i32, i32) {
    %c0_i32 = arith.constant 0 : i32
    %c0_i32_0 = arith.constant 0 : i32
    %c0_i32_1 = arith.constant 0 : i32
    return %c0_i32, %c0_i32_0 : i32, i32
  }
  func.func @transform_6(%arg0: i32) -> (i32, i32) {
    %c0_i32 = arith.constant 0 : i32
    %c0_i32_0 = arith.constant 0 : i32
    return %c0_i32, %arg0 : i32, i32
  }
  func.func @transform_7(%arg0: i32) -> (i32, i32) {
    %c0_i32 = arith.constant 0 : i32
    %c0_i32_0 = arith.constant 0 : i32
    return %c0_i32, %arg0 : i32, i32
  }
}

module attributes {stable_mosaic.version = 14 : i64} {
  func.func @_k3_body(%arg0: i32, %arg1: memref<128x1024xf32, #tpu.memory_space<vmem>>, %arg2: memref<128x1024xf32, #tpu.memory_space<vmem>>, %arg3: memref<128x1024xf32, #tpu.memory_space<vmem>>, %arg4: memref<128x128xf32, #tpu.memory_space<vmem>>, %arg5: memref<128x1xf32, #tpu.memory_space<vmem>>, %arg6: memref<128x1xf32, #tpu.memory_space<vmem>>, %arg7: memref<1024x128xf32, #tpu.memory_space<vmem>>) attributes {dimension_semantics = [#tpu.dimension_semantics<arbitrary>], iteration_bounds = array<i64: 10>, scalar_prefetch = 0 : i64, scratch_operands = 0 : i64, tpu.core_type = #tpu.core_type<tc>, window_params = [{transform_indices = @transform_0, window_bounds = array<i64: 128, 1024>}, {transform_indices = @transform_1, window_bounds = array<i64: 128, 1024>}, {transform_indices = @transform_2, window_bounds = array<i64: 128, 1024>}, {pipeline_mode = #tpu.pipeline_mode<synchronous>, transform_indices = @transform_3, window_bounds = array<i64: 128, 128>}, {pipeline_mode = #tpu.pipeline_mode<synchronous>, transform_indices = @transform_4, window_bounds = array<i64: 128, 1>}, {pipeline_mode = #tpu.pipeline_mode<synchronous>, transform_indices = @transform_5, window_bounds = array<i64: 128, 1>}, {transform_indices = @transform_6, window_bounds = array<i64: 1024, 128>}]} {
    %get3A = arith.constant 126 : index
    %get3A_0 = arith.constant 0 : index
    %get3A_1 = vector.load %arg2[%get3A, %get3A_0] : memref<128x1024xf32, #tpu.memory_space<vmem>>, vector<1x1024xf32>
    %max3A = arith.constant 1.000000e+00 : f32
    %max3A_2 = vector.broadcast %max3A : f32 to vector<1x1024xf32>
    %max3A_3 = arith.maximumf %get3A_1, %max3A_2 : vector<1x1024xf32>
    %div3A = arith.constant 1.000000e+00 : f32
    %div3A_4 = vector.broadcast %div3A : f32 to vector<1x1024xf32>
    %div3A_5 = arith.divf %div3A_4, %max3A_3 : vector<1x1024xf32>
    %get3A_6 = arith.constant 0 : index
    %get3A_7 = arith.constant 0 : index
    %get3A_8 = vector.load %arg4[%get3A_6, %get3A_7] : memref<128x128xf32, #tpu.memory_space<vmem>>, vector<128x128xf32>
    %get3A_9 = arith.constant 0 : index
    %get3A_10 = arith.constant 0 : index
    %get3A_11 = vector.load %arg3[%get3A_9, %get3A_10] : memref<128x1024xf32, #tpu.memory_space<vmem>>, vector<128x1024xf32>
    %dot_general3A = arith.constant dense<0.000000e+00> : vector<128x1024xf32>
    %dot_general3A_12 = tpu.matmul %get3A_8, %get3A_11, %dot_general3A {dimension_numbers = #tpu.dot_dimension_numbers<[1], [0], [0], [1], [0, 0, 1, 1], [], []>, transpose_lhs_hint = false} : vector<128x128xf32>, vector<128x1024xf32>, vector<128x1024xf32> -> vector<128x1024xf32>
    %get3A_13 = arith.constant 0 : index
    %get3A_14 = arith.constant 0 : index
    %get3A_15 = vector.load %arg1[%get3A_13, %get3A_14] : memref<128x1024xf32, #tpu.memory_space<vmem>>, vector<128x1024xf32>
    %mul3A = vector.broadcast %div3A_5 : vector<1x1024xf32> to vector<128x1024xf32>
    %mul3A_16 = arith.mulf %get3A_15, %mul3A : vector<128x1024xf32>
    %add3A = arith.addf %mul3A_16, %dot_general3A_12 : vector<128x1024xf32>
    %get3A_17 = arith.constant 0 : index
    %get3A_18 = arith.constant 0 : index
    %get3A_19 = vector.load %arg5[%get3A_17, %get3A_18] : memref<128x1xf32, #tpu.memory_space<vmem>>, vector<128x1xf32>
    %mul3A_20 = vector.broadcast %get3A_19 : vector<128x1xf32> to vector<128x1024xf32>
    %mul3A_21 = arith.mulf %add3A, %mul3A_20 : vector<128x1024xf32>
    %get3A_22 = arith.constant 0 : index
    %get3A_23 = arith.constant 0 : index
    %get3A_24 = vector.load %arg6[%get3A_22, %get3A_23] : memref<128x1xf32, #tpu.memory_space<vmem>>, vector<128x1xf32>
    %add3A_25 = vector.broadcast %get3A_24 : vector<128x1xf32> to vector<128x1024xf32>
    %add3A_26 = arith.addf %mul3A_21, %add3A_25 : vector<128x1024xf32>
    %max3A_27 = arith.constant 0.000000e+00 : f32
    %max3A_28 = vector.broadcast %max3A_27 : f32 to vector<128x1024xf32>
    %max3A_29 = arith.maximumf %add3A_26, %max3A_28 : vector<128x1024xf32>
    %transpose3A = tpu.transpose %max3A_29, [1, 0] : vector<128x1024xf32> -> vector<1024x128xf32>
    %swap3A = arith.constant 0 : index
    %swap3A_30 = arith.constant 0 : index
    %swap3A_31 = vector.load %arg7[%swap3A, %swap3A_30] : memref<1024x128xf32, #tpu.memory_space<vmem>>, vector<1024x128xf32>
    tpu.vector_store %arg7[%swap3A, %swap3A_30], %transpose3A {strides = array<i32>} : memref<1024x128xf32, #tpu.memory_space<vmem>>, vector<1024x128xf32>,
    return
  }
  func.func @transform_0(%arg0: i32) -> (i32, i32) {
    %c0_i32 = arith.constant 0 : i32
    %c0_i32_0 = arith.constant 0 : i32
    return %c0_i32, %arg0 : i32, i32
  }
  func.func @transform_1(%arg0: i32) -> (i32, i32) {
    %c0_i32 = arith.constant 0 : i32
    %c0_i32_0 = arith.constant 0 : i32
    return %c0_i32, %arg0 : i32, i32
  }
  func.func @transform_2(%arg0: i32) -> (i32, i32) {
    %c0_i32 = arith.constant 0 : i32
    %c0_i32_0 = arith.constant 0 : i32
    return %c0_i32, %arg0 : i32, i32
  }
  func.func @transform_3(%arg0: i32) -> (i32, i32) {
    %c0_i32 = arith.constant 0 : i32
    %c0_i32_0 = arith.constant 0 : i32
    %c0_i32_1 = arith.constant 0 : i32
    return %c0_i32, %c0_i32_0 : i32, i32
  }
  func.func @transform_4(%arg0: i32) -> (i32, i32) {
    %c0_i32 = arith.constant 0 : i32
    %c0_i32_0 = arith.constant 0 : i32
    %c0_i32_1 = arith.constant 0 : i32
    return %c0_i32, %c0_i32_0 : i32, i32
  }
  func.func @transform_5(%arg0: i32) -> (i32, i32) {
    %c0_i32 = arith.constant 0 : i32
    %c0_i32_0 = arith.constant 0 : i32
    %c0_i32_1 = arith.constant 0 : i32
    return %c0_i32, %c0_i32_0 : i32, i32
  }
  func.func @transform_6(%arg0: i32) -> (i32, i32) {
    %c0_i32 = arith.constant 0 : i32
    %c0_i32_0 = arith.constant 0 : i32
    return %arg0, %c0_i32 : i32, i32
  }
}

</mosaic_0001>

<sc_bundles>
// kernel: kernel.10.cloned.1.call-start
scs
__scs_entry_jumppad:
0x0: {  	(pc) =	sbr.rel $0x88, $3  }
0x1: {  	(tag) =	ssettag $0x0;
	lr =	simm.s32 $0x1  }
0x2: {  	[smem:$0x3F91] =	sst lr;
	_ =	strace $0xD0000000  }
0x3: {  	_ = 	snop  }
0x4: {  	_ = 	snop  }
0x5: {  	_ = 	snop  }
0x6: {  	_ = 	snop  }
0x7: {  	_ = 	snop  }
__scs_overlays_trampoline_lowered:
0x8: {  	[smem:$0x3FA0] =	sst s0  }
0x9: {  	[smem:$0x3FA1] =	sst s1  }
0xa: {  	[smem:$0x3FA2] =	sst s2  }
0xb: {  	[smem:$0x3FA3] =	sst s3  }
0xc: {  	[smem:$0x3FA4] =	sst s4  }
0xd: {  	[smem:$0x3FA5] =	sst s5  }
0xe: {  	[smem:$0x3FA6] =	sst s6  }
0xf: {  	[smem:$0x3FA7] =	sst s7  }
0x10: {  	[smem:$0x3FA8] =	sst s8  }
0x11: {  	[smem:$0x3FA9] =	sst s9;
	s0 =	simm.s32 @!p0 $0x0  }
0x12: {  	s1 =	sld [smem:$0x3F8F];
	s0 =	simm.s32 @p0 $0x1  }
0x13: {  	[smem:$0x3FAA] =	sst s0;
	s0 =	simm.s32 @!p1 $0x0  }
0x14: {  	s2 =	sld [smem:$0x3F8E];
	s0 =	simm.s32 @p1 $0x1  }
0x15: {  	[smem:$0x3FAB] =	sst s0;
	s0 =	simm.s32 @!p2 $0x0  }
0x16: {  	s3 =	sld [smem:$0x3FDB];
	s0 =	simm.s32 @p2 $0x1  }
0x17: {  	s4 =	simm.s32 $0x1BF5;
	[smem:$0x3FAD] =	sst s0  }
0x18: {  	s0 =	sld [smem:$0x3F90];
	_ =	swait.ge [sflag:s4], $0x0  }
0x19: {  	s7 =	sld [smem:$0x3F91]  }
0x1a: {  	s8 =	sadd.s32 $0xFFFFE003, lr  }
0x1b: {  	s9 =	sadd.s32 $0xFFFFFEF7, lr;
	s5 =	simm.s32 $0xFFFFFFFF;
	p2 =	slt.u32 s8, $0xFFFFF086  }
0x1c: {  	p1 =	slt.u32 s9, $0xF7A;
	s5 =	simm.s32 @!p2 $0x0  }
0x1d: {  	s5 =	simm.s32 @p1 $0x1;
	p0 =	seq.s32 s7, s2  }
0x1e: {  	s7 =	smul.u32 @!p0 $0xF7A, s2;
	p2 =	seq.s32 @!p0 s5, $0x0  }
0x1f: {  	s9 =	smul.u32 $0xF7A, s1;
	s8 =	simm.s32 @!p0 $0x1BF5;
	p2 =	por !p2, p0  }
0x20: {  	[sflag:s8] =	ssyncset.s32 @!p0 $0xFFFFF086;
	s6 =	sadd.s32 @!p0 s3, s7;
	s7 =	simm.s32 @!p0 $0x108  }
0x21: {  	s3 =	sadd.s32 s3, s9;
	s6 =	sadd.s32 @!p0 $0x88, s6;
	s7 =	simm.s32 @p2 $0x1082  }
0x22: {  	[simem:s7], [sflag:s8] =	dma.local @!p0 [hbm:s6], $0xF7A  }
0x23: {  	s9 =	sor.u32 $0xD0000000, s2;
	s6 =	simm.s32 $0x108;
	_ =	swait.ge @!p0 [sflag:s8], $0x0  }
0x24: {  	s3 =	sadd.s32 $0x88, s3;
	s6 =	simm.s32 @!p1 $0x1082;
	[sflag:s4] =	ssyncset.s32 $0xFFFFF086  }
0x25: {  	[simem:s6], [sflag:s4] =	dma.local [hbm:s3], $0xF7A  }
0x26: {  	[smem:$0x3F91] =	sst s1;
	(tag) =	ssettag s2;
	_ =	strace s9  }
0x27: {  	s1 =	sld [smem:$0x3FA1]  }
0x28: {  	s2 =	sld [smem:$0x3FA2]  }
0x29: {  	s4 =	sld [smem:$0x3FA4]  }
0x2a: {  	p0 =	seq.s32 s5, $0x0;
	s5 =	sld [smem:$0x3FA5]  }
0x2b: {  	s6 =	sld [smem:$0x3FA6]  }
0x2c: {  	s7 =	sld [smem:$0x3FA7]  }
0x2d: {  	s3 =	simm.s32 $0x108;
	s8 =	sld [smem:$0x3FA8]  }
0x2e: {  	s3 =	simm.s32 @!p0 $0x1082;
	s9 =	sld [smem:$0x3FA9]  }
0x2f: {  	lr =	sadd.s32 s0, s3;
	s0 =	sld [smem:$0x3FA0]  }
0x30: {  	s3 =	sld [smem:$0x3FA3]  }
0x31: {  	[smem:$0x3FAC] =	sst s10  }
0x32: {  	s10 =	sld [smem:$0x3FAA];
	_ =	sdelay $0x3  }
0x33: {  	p0 =	seq.s32 s10, $0x1;
	s10 =	sld [smem:$0x3FAC];
	_ =	sdelay $0x3  }
0x34: {  	[smem:$0x3FAC] =	sst s10  }
0x35: {  	s10 =	sld [smem:$0x3FAB];
	_ =	sdelay $0x3  }
0x36: {  	p1 =	seq.s32 s10, $0x1;
	s10 =	sld [smem:$0x3FAC];
	_ =	sdelay $0x3  }
0x37: {  	[smem:$0x3FAC] =	sst s10  }
0x38: {  	s10 =	sld [smem:$0x3FAD]  }
0x39: {  	_ = 	snop;
	(pc) =	sbr.ind lr, $3  }
0x3a: {  	_ = 	snop  }
0x3b: {  	_ = 	snop  }
0x3c: {  	p2 =	seq.s32 s10, $0x1;
	s10 =	sld [smem:$0x3FAC]  }
0x3d: {  	_ =	shalt  }
0x3e: {  	_ =	shalt  }
0x3f: {  	_ =	shalt  }
0x40: {  	_ =	shalt  }
0x41: {  	_ =	shalt  }
0x42: {  	_ =	shalt  }
0x43: {  	_ =	shalt  }
0x44: {  	_ =	shalt  }
0x45: {  	_ =	shalt  }
0x46: {  	_ =	shalt  }
0x47: {  	_ =	shalt  }
0x48: {  	_ =	shalt  }
0x49: {  	_ =	shalt  }
0x4a: {  	_ =	shalt  }
0x4b: {  	_ =	shalt  }
0x4c: {  	_ =	shalt  }
0x4d: {  	_ =	shalt  }
0x4e: {  	_ =	shalt  }
0x4f: {  	_ =	shalt  }
0x50: {  	_ =	shalt  }
0x51: {  	_ =	shalt  }
0x52: {  	_ =	shalt  }
0x53: {  	_ =	shalt  }
0x54: {  	_ =	shalt  }
0x55: {  	_ =	shalt  }
0x56: {  	_ =	shalt  }
0x57: {  	_ =	shalt  }
0x58: {  	_ =	shalt  }
0x59: {  	_ =	shalt  }
0x5a: {  	_ =	shalt  }
0x5b: {  	_ =	shalt  }
0x5c: {  	_ =	shalt  }
0x5d: {  	_ =	shalt  }
0x5e: {  	_ =	shalt  }
0x5f: {  	_ =	shalt  }
0x60: {  	_ =	shalt  }
0x61: {  	_ =	shalt  }
0x62: {  	_ =	shalt  }
0x63: {  	_ =	shalt  }
0x64: {  	_ =	shalt  }
0x65: {  	_ =	shalt  }
0x66: {  	_ =	shalt  }
0x67: {  	_ =	shalt  }
0x68: {  	_ =	shalt  }
0x69: {  	_ =	shalt  }
0x6a: {  	_ =	shalt  }
0x6b: {  	_ =	shalt  }
0x6c: {  	_ =	shalt  }
0x6d: {  	_ =	shalt  }
0x6e: {  	_ =	shalt  }
0x6f: {  	_ =	shalt  }
0x70: {  	_ =	shalt  }
0x71: {  	_ =	shalt  }
0x72: {  	_ =	shalt  }
0x73: {  	_ =	shalt  }
0x74: {  	_ =	shalt  }
0x75: {  	_ =	shalt  }
0x76: {  	_ =	shalt  }
0x77: {  	_ =	shalt  }
0x78: {  	_ =	shalt  }
0x79: {  	_ =	shalt  }
0x7a: {  	_ =	shalt  }
0x7b: {  	_ =	shalt  }
0x7c: {  	_ =	shalt  }
0x7d: {  	_ =	shalt  }
0x7e: {  	_ =	shalt  }
0x7f: {  	_ =	shalt  }
0x80: {  	_ =	shalt  }
0x81: {  	_ =	shalt  }
0x82: {  	_ =	shalt  }
0x83: {  	_ =	shalt  }
0x84: {  	_ =	shalt  }
0x85: {  	_ =	shalt  }
0x86: {  	_ =	shalt  }
0x87: {  	_ =	shalt  }
.Lfunc_end0:
.L_simem_size_0:
called_computation.1_lowered:
.L_overlay_start_0:
0x88: {  	s2 =	sld [smem:$0x3FD9]  }
0x89: {  	s3 =	sld [smem:$0x3FFE];
	_ =	sdelay $0x1  }
0x8a: {  	s1 =	srdreg.scid  }
0x8b: {  	s0 =	sand.u32 $0x1, s1  }
0x8c: {  	s17 =	sshll.u32 s0, $0xA;
	s2 =	sadd.s32 s3, s2  }
0x8d: {  	s2 =	sadd.s32 s2, s17  }
0x8e: {  	[smem:$0x3FB8] =	sst s2  }
0x8f: {  	_ = 	snop  }
0x90: {  	s2 =	sld [smem:$0x3FD0];
	(tm) =	ssettm $0x1  }
0x91: {  	s18 =	sld [smem:$0x3FFB];
	_ =	sdelay $0x3  }
0x92: {  	_ =	strace s18  }
0x93: {  	s3 =	sld [smem:$0x3FFC];
	_ =	sdelay $0x3  }
0x94: {  	_ =	strace s3  }
0x95: {  	s3 =	sld [smem:$0x3FFD];
	_ =	sdelay $0x3  }
0x96: {  	_ =	strace s3  }
0x97: {  	_ =	strace $0x8FFFFFFF  }
0x98: {  	s19 =	sld [smem:$0x3FDB];
	_ =	sdelay $0x1  }
0x99: {  	s4 =	simm.s32 $_scs_section_size  }
0x9a: {  	s5 =	simm.s32 $_size__tile_overlayer_lowered;
	s6 =	simm.s32 $_tile_overlayer_lowered  }
0x9b: {  	s22 =	simm.s32 $0x1BFF;
	s21 =	sshll.u32 s6, $0x1;
	s3 =	sadd.s32 s4, s19  }
0x9c: {  	s7 =	simm.s32 $0x0;
	s20 =	sshll.u32 s5, $0x1;
	s5 =	sadd.s32 s21, s3  }
0x9d: {  	[timem:s7], [sflag:s22] =	dma.local [hbm:s5], s20  }
0x9e: {  	_ =	swait.ge [sflag:s22], s20  }
0x9f: {  	s4 =	ssub.s32 $0x0, s20;
	[sflag:s22] =	ssyncset.done $0x0  }
0xa0: {  	[sflag:s22] =	ssyncadd.s32 s4;
	_ =	sdelay $0x1  }
0xa1: {  	s23 =	simm.s32 $0x1B8B  }
0xa2: {  	_ =	swait.ge [sflag:s23], $0x1  }
0xa3: {  	[sflag:s23] =	ssyncset.done $0x0  }
0xa4: {  	s25 =	simm.s32 $0x1B8E;
	s24 =	sld [smem:$0x3FFE];
	[sflag:s23] =	ssyncadd.s32 $0xFFFFFFFF  }
0xa5: {  	s26 =	simm.s32 $execute0_lowered;
	[smem:$0x3FD2] =	sst s25  }
0xa6: {  	s5 =	sshll.u32 s26, $0x1;
	_ =	strace $0x80000049;
	[dreg:$0x1] =	wrdreg $0xFFFFFFFF  }
0xa7: {  	s28 =	simm.s32 $_size_execute0_lowered;
	s3 =	sadd.s32 s3, s5;
	[dreg:$0x0] =	wrdreg $0x0  }
0xa8: {  	s5 =	sshll.u32 s28, $0x1;
	[dreg:$0x2] =	wrdreg s3  }
0xa9: {  	[dreg:$0x3] =	wrdreg s5  }
0xaa: {  	[dreg:$0x4] =	wrdreg $0xC0  }
0xab: {  	_ =	task [dreg:s7], $0x5FFFF  }
0xac: {  	[dreg:$0x1] =	wrdreg $0xFFFFFFFF  }
0xad: {  	[dreg:$0x0] =	wrdreg $0x60  }
0xae: {  	[dreg:$0x2] =	wrdreg s2  }
0xaf: {  	[dreg:$0x3] =	wrdreg s24  }
0xb0: {  	[dreg:$0x4] =	wrdreg $0x9  }
0xb1: {  	_ =	task.clear_ibuf [dreg:s7], $0x5FFFF;
	_ =	strace $0x90000049  }
0xb2: {  	s29 =	simm.s32 $0x9;
	_ =	strace $0x8000004B  }
0xb3: {  	_ =	swait.ge [sflag:s29], $0x1  }
0xb4: {  	[sflag:s29] =	ssyncadd.s32 $0xFFFFFFFF  }
0xb5: {  	_ =	strace $0x9000004B  }
0xb6: {  	_ =	sfence  }
0xb7: {  	s30 =	sld [smem:$0x0];
	_ =	sdelay $0x2  }
0xb8: {  	s31 =	sshll.u32 s1, $0xD;
	s1 =	sshrl.u32 s1, $0x2  }
0xb9: {  	s3 =	sand.u32 $0x4000, s31;
	s1 =	sadd.s32 s1, s30  }
0xba: {  	s0 =	sor.u32 s3, s0;
	s1 =	sshll.u32 s1, $0x11  }
0xbb: {  	s0 =	sor.u32 s1, s0  }
0xbc: {  	s0 =	sadd.s32 $0x8F2B, s0  }
0xbd: {  	[sflag:s0] =	ssyncadd.remote.s32 $0x1  }
0xbe: {  	_ =	sfence.sel $0xFFFF  }
0xbf: {  	[dreg:$0x0] =	wrdreg $0xFFFFFFFF;
	(pc) =	sbr.abs _section_cstart, $3  }
0xc0: {  	[dreg:$0x1] =	wrdreg $0xFFFFFFFF  }
0xc1: {  	_ =	task.clear_ibuf [dreg:s7], $0x2FFFF;
	_ =	strace $0x9FFFFFFF  }
0xc2: {  	(tm) =	ssettm $0x7FFFFFFF  }
0xc3: {  	_ =	shalt  }
tec
execute0_lowered:
.L_overlay_start_1:
0x0: {  	(tag) =	ssettag $0x1  }
0x1: {  	s4 =	rddreg [dreg:$0x0];
	s1 =	srdreg.scid  }
0x2: {  	s0 =	stileid.u32;
	s5 =	rddreg [dreg:$0x1];
	s2 =	simm.s32 $0x0  }
0x3: {  	s9 =	simm.s32 $0x10F80;
	s10 =	simm.s32 $0x1;
	s11 =	simm.s32 $0x5000  }
0x4: {  	s12 =	simm.s32 $0x2;
	s3 =	sand.u32 $0x1, s1;
	s6 =	sshll.u32 s0, $0x1  }
0x5: {  	s13 =	simm.s32 $0x4;
	s1 =	rddreg [dreg:$0x2];
	s6 =	sor.u32 s3, s6  }
0x6: {  	s14 =	simm.s32 $0x0;
	[smem:$0x7FF] =	sst s2;
	s7 =	smul.u32 $0x1400, s6  }
0x7: {  	_ =	strace $0x8000004A;
	s8 =	ssub.s32 $0x2, s3;
	s6 =	smul.u32 $0xA00, s6  }
0x8: {  	s3 =	sadd.s32 $0x3200, s5;
	s31 =	sshrl.u32 s8, $0x1;
	s5 =	sadd.s32 s7, s5  }
0x9: {  	s7 =	ssub.s32 s8, s31;
	s4 =	sadd.s32 s4, s6;
	s8 =	simm.s32 $0xF000  }
0xa: {  	v0 =	vimm.f32 $0.0e+00;
	s5 =	sadd.s32 $0x16C00, s5;
	s6 =	smax.u32 s7, $0x1;
	s7 =	simm.s32 $0x3  }
.LBB2_1:
0xb: {  	[tilespmem:s2], [sflag:$0x3] =	stream.linear.gather [hbm4b:s4+s2], $0x5000, $0x38;
	[tilespmem:$0x12F00] =	vst v63  }
0xc: {  	s15 =	simm.s32 $0x5040  }
0xd: {  	[tilespmem:s15+$0xFFFFFFC0] =	vst v0  }
0xe: {  	[tilespmem:s15+$0x30] =	vst v0  }
0xf: {  	[tilespmem:s15+$0x20] =	vst v0  }
0x10: {  	[tilespmem:s15+$0x10] =	vst v0  }
0x11: {  	[tilespmem:s15+$0x0] =	vst v0  }
0x12: {  	[tilespmem:s15+$0xFFFFFFF0] =	vst v0  }
0x13: {  	s16 =	simm.s32 $0x0;
	[tilespmem:s15+$0xFFFFFFE0] =	vst v0  }
.LBB2_2:
0x14: {  	s16 =	sadd.s32 $0x8, s16;
	[tilespmem:s15+$0xFFFFFFD0] =	vst v0;
	s15 =	sadd.s32 $0x80, s15  }
0x15: {  	[tilespmem:s15+$0xFFFFFFC0] =	vst v0;
	p0 =	slt.u32 s16, $0x9F8  }
0x16: {  	[tilespmem:s15+$0x30] =	vst v0  }
.Ltmp0:
0x17: {  	[tilespmem:s15+$0x20] =	vst v0;
	(pc) =	sbr.rel @p0 .LBB2_2-.Ltmp0, $4  }
0x18: {  	[tilespmem:s15+$0x10] =	vst v0  }
0x19: {  	[tilespmem:s15+$0x0] =	vst v0  }
0x1a: {  	[tilespmem:s15+$0xFFFFFFF0] =	vst v0  }
0x1b: {  	[tilespmem:s15+$0xFFFFFFE0] =	vst v0  }
0x1c: {  	[tilespmem:s15+$0xFFFFFFD0] =	vst v0  }
0x1d: {  	_ =	swait.ge [sflag:s7], $0x5000  }
0x1e: {  	[sflag:s7] =	ssyncset.done $0x0  }
0x1f: {  	s15 =	simm.s32 $0x0;
	[sflag:s7] =	ssyncadd.s32 $0xFFFFB000  }
0x20: {  	[tilespmem:s8], [sflag:$0x1] =	stream.linear.gather [hbm4b:s3+s15], $0x1F40, $0x38;
	[tilespmem:$0x12F00] =	vst v63  }
.LBB2_4:
0x21: {  	s16 =	smul.u32 $0x3E80, s15;
	_ =	sdelay $0x1  }
0x22: {  	s17 =	sshrl.u32 s16, $0x3  }
0x23: {  	s17 =	sadd.s32 s3, s17  }
0x24: {  	s17 =	sadd.s32 $0x3E8, s17  }
0x25: {  	[tilespmem:s9], [sflag:$0x2] =	stream.linear.gather [hbm4b:s17+s2], $0x1F40, $0x38;
	[tilespmem:$0x12F00] =	vst v63  }
0x26: {  	_ =	swait.ge [sflag:s10], $0x1F40  }
0x27: {  	[sflag:s10] =	ssyncset.done $0x0  }
0x28: {  	s31 =	simm.s32 $0xF020;
	[sflag:s10] =	ssyncadd.s32 $0xFFFFE0C0  }
0x29: {  	v1 =	vld [tilespmem:s31+$0x0]  }
0x2a: {  	v7 =	vld [tilespmem:s31+$0xFFFFFFF0]  }
0x2b: {  	v10 =	vld [tilespmem:s31+$0xFFFFFFE0]  }
0x2c: {  	v3 =	vld [tilespmem:s31+$0x10];
	_ =	sdelay $0x2  }
0x2d: {  	v2 =	vand.u32 $0x3FFF, v1  }
0x2e: {  	v4 =	vshrl.u32 v1, $0xE;
	v1 =	vand.u32 $0x7F, v1;
	v13 =	vshrl.u32 v7, $0xE  }
0x2f: {  	v25 =	vshrl.u32 v3, $0xE;
	v18 =	vshrl.u32 v10, $0xE;
	v20 =	vand.u32 $0x3FFF, v7  }
0x30: {  	v5 =	vadd.s32 $0x2800, v2;
	v9 =	vadd.s32 $0x2800, v4;
	v12 =	vand.u32 $0x7F, v13  }
0x31: {  	v14 =	vadd.s32 $0x2800, v13;
	v8 =	vadd.s32 $0x5000, v2;
	v16 =	vadd.s32 $0x2800, v25  }
0x32: {  	v21 =	vadd.s32 $0x2800, v18;
	v23 =	vadd.s32 $0x5000, v20;
	v5 =	vand.u32 $0x7F80, v5  }
0x33: {  	v11 =	vand.u32 $0x7FF80, v9;
	v9 =	vand.u32 $0x3FFF, v10;
	v6 =	vor.u32 v1, v5  }
0x34: {  	v5 =	vand.u32 $0x7FF80, v14;
	v14 =	vand.u32 $0x7F, v10;
	v17 =	vadd.s32 $0x5000, v9;
	v15 =	vld.idx.msk [tilespmem:v4+s2+$0x0], $0xffff  }
0x35: {  	v10 =	vadd.s32 $0x2800, v20;
	v5 =	vor.u32 v12, v5;
	v12 =	vadd.s32 $0x2800, v9  }
0x36: {  	v17 =	vand.u32 $0xFF80, v17;
	v24 =	vand.u32 $0x7F80, v10;
	v10 =	vand.u32 $0x7F, v7  }
0x37: {  	v7 =	vand.u32 $0xFF80, v23;
	v23 =	vand.u32 $0x7FF80, v21;
	v19 =	vand.u32 $0x7F80, v12;
	v22 =	vld.idx.msk [tilespmem:v13+s2+$0x0], $0xffff  }
0x38: {  	v12 =	vadd.s32 $0x7800, v20;
	v13 =	vld.idx.msk [tilespmem:v25+s2+$0x0], $0xffff;
	v24 =	vor.u32 v10, v24;
	v7 =	vor.u32 v10, v7  }
0x39: {  	s18 =	simm.s32 $0xF060;
	s17 =	simm.s32 $0x0;
	v21 =	vld.idx.msk [tilespmem:v18+s2+$0x0], $0xffff;
	v25 =	vand.u32 $0x7F, v25;
	v19 =	vor.u32 v14, v19;
	v26 =	vunpack.i.l.bf16.f32 v15  }
.LBB2_5:
0x3a: {  	s17 =	sadd.s32 $0x4, s17;
	v17 =	vor.u32 v14, v17;
	v27 =	vadd.s32 $0x7800, v9;
	[tilespmem:v2+s11+$0x0] =	vst.idx.add.f32.msk $0xffff, v26;
	v16 =	vand.u32 $0x7FF80, v16  }
0x3b: {  	v8 =	vand.u32 $0xFF80, v8;
	v26 =	vld [tilespmem:s18+$0xFFFFFFF0];
	p0 =	slt.u32 s17, $0x1F0;
	v27 =	vand.u32 $0xFF80, v27;
	v16 =	vor.u32 v25, v16  }
0x3c: {  	v25 =	vld [tilespmem:s18+$0xFFFFFFE0];
	v27 =	vor.u32 v14, v27;
	v14 =	vunpack.i.u.bf16.f32 v22;
	v22 =	vunpack.i.l.bf16.f32 v22  }
0x3d: {  	v18 =	vand.u32 $0x7F, v18;
	v4 =	vand.u32 $0x7F, v4;
	[tilespmem:v20+s11+$0x0] =	vst.idx.add.f32.msk $0xffff, v22;
	v20 =	vunpack.i.l.bf16.f32 v13  }
0x3e: {  	v18 =	vor.u32 v18, v23;
	v4 =	vor.u32 v4, v11;
	[tilespmem:v24+s11+$0x0] =	vst.idx.add.f32.msk $0xffff, v14;
	v14 =	vunpack.i.u.bf16.f32 v15  }
0x3f: {  	v11 =	vunpack.i.u.bf16.f32 v21;
	v15 =	vunpack.i.l.bf16.f32 v21;
	[tilespmem:v6+s11+$0x0] =	vst.idx.add.f32.msk $0xffff, v14;
	v14 =	vor.u32 v1, v8  }
0x40: {  	v2 =	vadd.s32 $0x7800, v2;
	v6 =	vand.u32 $0x3FFF, v3;
	[tilespmem:v9+s11+$0x0] =	vst.idx.add.f32.msk $0xffff, v15  }
0x41: {  	v9 =	vadd.s32 $0x2800, v6;
	v15 =	vadd.s32 $0x5000, v6;
	v21 =	vadd.s32 $0x7800, v6;
	v8 =	vld [tilespmem:s18+$0x0]  }
0x42: {  	v9 =	vand.u32 $0x7F80, v9;
	[tilespmem:v19+s11+$0x0] =	vst.idx.add.f32.msk $0xffff, v11;
	v11 =	vand.u32 $0x7F, v3;
	v3 =	vand.u32 $0xFF80, v21  }
0x43: {  	v2 =	vand.u32 $0xFF80, v2;
	v5 =	vld.idx.msk [tilespmem:v5+s2+$0x0], $0xffff;
	v9 =	vor.u32 v11, v9;
	v19 =	vor.u32 v11, v3  }
0x44: {  	v22 =	vor.u32 v1, v2;
	v21 =	vld.idx.msk [tilespmem:v4+s2+$0x0], $0xffff  }
0x45: {  	v1 =	vand.u32 $0xFF80, v12;
	v12 =	vunpack.i.u.bf16.f32 v13;
	v18 =	vld.idx.msk [tilespmem:v18+s2+$0x0], $0xffff  }
0x46: {  	v10 =	vor.u32 v10, v1;
	v4 =	vshrl.u32 v8, $0xE;
	v2 =	vand.u32 $0x3FFF, v8;
	v3 =	vld [tilespmem:s18+$0x10]  }
0x47: {  	v1 =	vand.u32 $0x7F, v8;
	v13 =	vadd.s32 $0x2800, v2;
	v23 =	vadd.s32 $0x2800, v4;
	[tilespmem:v6+s11+$0x0] =	vst.idx.add.f32.msk $0xffff, v20  }
0x48: {  	v24 =	vshrl.u32 v26, $0xE;
	v6 =	vand.u32 $0x7F80, v13;
	[tilespmem:v9+s11+$0x0] =	vst.idx.add.f32.msk $0xffff, v12;
	v9 =	vand.u32 $0xFF80, v15  }
0x49: {  	v12 =	vand.u32 $0x7F, v24;
	v13 =	vadd.s32 $0x2800, v24;
	v15 =	vunpack.i.l.bf16.f32 v5;
	v28 =	vld.idx.msk [tilespmem:v16+s2+$0x0], $0xffff  }
0x4a: {  	v8 =	vadd.s32 $0x5000, v2;
	v20 =	vor.u32 v11, v9;
	[tilespmem:v7+s11+$0x0] =	vst.idx.add.f32.msk $0xffff, v15;
	v7 =	vunpack.i.l.bf16.f32 v21  }
0x4b: {  	v6 =	vor.u32 v1, v6;
	v11 =	vand.u32 $0x7FF80, v23;
	v9 =	vunpack.i.l.bf16.f32 v18;
	[tilespmem:v14+s11+$0x0] =	vst.idx.add.f32.msk $0xffff, v7  }
0x4c: {  	v7 =	vand.u32 $0x7FF80, v13;
	v13 =	vunpack.i.u.bf16.f32 v18;
	[tilespmem:v17+s11+$0x0] =	vst.idx.add.f32.msk $0xffff, v9;
	v9 =	vunpack.i.u.bf16.f32 v5  }
0x4d: {  	v29 =	vshrl.u32 v3, $0xE;
	v5 =	vor.u32 v12, v7;
	v7 =	vunpack.i.u.bf16.f32 v21;
	[tilespmem:v10+s11+$0x0] =	vst.idx.add.f32.msk $0xffff, v9  }
0x4e: {  	v14 =	vand.u32 $0x7F, v25;
	v16 =	vadd.s32 $0x2800, v29;
	v9 =	vand.u32 $0x3FFF, v25;
	v15 =	vld.idx.msk [tilespmem:v4+s2+$0x0], $0xffff  }
0x4f: {  	v10 =	vadd.s32 $0x2800, v9;
	v12 =	vadd.s32 $0x5000, v9;
	[tilespmem:v27+s11+$0x0] =	vst.idx.add.f32.msk $0xffff, v13;
	v13 =	vunpack.i.l.bf16.f32 v28  }
0x50: {  	v18 =	vshrl.u32 v25, $0xE;
	v25 =	vand.u32 $0x7F80, v10;
	v17 =	vand.u32 $0xFF80, v12;
	[tilespmem:v20+s11+$0x0] =	vst.idx.add.f32.msk $0xffff, v13  }
.Ltmp1:
0x51: {  	v21 =	vadd.s32 $0x2800, v18;
	v20 =	vand.u32 $0x3FFF, v26;
	[tilespmem:v22+s11+$0x0] =	vst.idx.add.f32.msk $0xffff, v7;
	v7 =	vunpack.i.u.bf16.f32 v28;
	(pc) =	sbr.rel @p0 .LBB2_5-.Ltmp1, $4  }
0x52: {  	v10 =	vadd.s32 $0x2800, v20;
	v13 =	vadd.s32 $0x5000, v20;
	v12 =	vadd.s32 $0x7800, v20;
	v22 =	vld.idx.msk [tilespmem:v24+s2+$0x0], $0xffff  }
0x53: {  	v24 =	vand.u32 $0x7F80, v10;
	v10 =	vand.u32 $0x7F, v26;
	v27 =	vand.u32 $0xFF80, v13;
	v13 =	vld.idx.msk [tilespmem:v29+s2+$0x0], $0xffff  }
0x54: {  	v23 =	vand.u32 $0x7FF80, v21;
	v24 =	vor.u32 v10, v24;
	v26 =	vunpack.i.l.bf16.f32 v15;
	[tilespmem:v19+s11+$0x0] =	vst.idx.add.f32.msk $0xffff, v7  }
0x55: {  	s18 =	sadd.s32 $0x40, s18;
	v19 =	vor.u32 v14, v25;
	v7 =	vor.u32 v10, v27;
	v25 =	vand.u32 $0x7F, v29;
	v21 =	vld.idx.msk [tilespmem:v18+s2+$0x0], $0xffff  }
0x56: {  	_ =	sdelay $0x3  }
0x57: {  	[tilespmem:v2+s11+$0x0] =	vst.idx.add.f32.msk $0xffff, v26;
	v15 =	vunpack.i.u.bf16.f32 v15  }
0x58: {  	v18 =	vand.u32 $0x7F, v18;
	v4 =	vand.u32 $0x7F, v4;
	v26 =	vunpack.i.l.bf16.f32 v22;
	[tilespmem:v6+s11+$0x0] =	vst.idx.add.f32.msk $0xffff, v15  }
0x59: {  	v22 =	vunpack.i.u.bf16.f32 v22;
	v4 =	vor.u32 v4, v11;
	v11 =	vand.u32 $0x3FFF, v3;
	[tilespmem:v20+s11+$0x0] =	vst.idx.add.f32.msk $0xffff, v26  }
0x5a: {  	v18 =	vor.u32 v18, v23;
	v6 =	vadd.s32 $0x2800, v11;
	[tilespmem:v24+s11+$0x0] =	vst.idx.add.f32.msk $0xffff, v22  }
0x5b: {  	v3 =	vand.u32 $0x7F, v3;
	v6 =	vand.u32 $0x7F80, v6;
	v20 =	vunpack.i.l.bf16.f32 v21;
	v5 =	vld.idx.msk [tilespmem:v5+s2+$0x0], $0xffff  }
0x5c: {  	v15 =	vunpack.i.u.bf16.f32 v21;
	v6 =	vor.u32 v3, v6;
	[tilespmem:v9+s11+$0x0] =	vst.idx.add.f32.msk $0xffff, v20  }
0x5d: {  	v16 =	vand.u32 $0x7FF80, v16;
	v8 =	vand.u32 $0xFF80, v8;
	v12 =	vand.u32 $0xFF80, v12;
	[tilespmem:v19+s11+$0x0] =	vst.idx.add.f32.msk $0xffff, v15  }
0x5e: {  	v2 =	vadd.s32 $0x7800, v2;
	v8 =	vor.u32 v1, v8;
	v15 =	vor.u32 v25, v16;
	v4 =	vld.idx.msk [tilespmem:v4+s2+$0x0], $0xffff  }
0x5f: {  	v10 =	vor.u32 v10, v12;
	v16 =	vor.u32 v14, v17;
	v17 =	vunpack.i.l.bf16.f32 v13;
	v18 =	vld.idx.msk [tilespmem:v18+s2+$0x0], $0xffff  }
0x60: {  	v2 =	vand.u32 $0xFF80, v2;
	v9 =	vadd.s32 $0x7800, v9;
	v13 =	vunpack.i.u.bf16.f32 v13;
	[tilespmem:v11+s11+$0x0] =	vst.idx.add.f32.msk $0xffff, v17  }
0x61: {  	v1 =	vor.u32 v1, v2;
	v9 =	vand.u32 $0xFF80, v9;
	[tilespmem:v6+s11+$0x0] =	vst.idx.add.f32.msk $0xffff, v13;
	v12 =	vunpack.i.l.bf16.f32 v5  }
0x62: {  	v9 =	vor.u32 v14, v9;
	v14 =	vadd.s32 $0x5000, v11;
	[tilespmem:v7+s11+$0x0] =	vst.idx.add.f32.msk $0xffff, v12  }
0x63: {  	v6 =	vadd.s32 $0x7800, v11;
	v11 =	vand.u32 $0xFF80, v14;
	v13 =	vld.idx.msk [tilespmem:v15+s2+$0x0], $0xffff;
	v7 =	vunpack.i.l.bf16.f32 v4  }
0x64: {  	v11 =	vor.u32 v3, v11;
	v6 =	vand.u32 $0xFF80, v6;
	v2 =	vunpack.i.l.bf16.f32 v18;
	[tilespmem:v8+s11+$0x0] =	vst.idx.add.f32.msk $0xffff, v7  }
0x65: {  	v3 =	vor.u32 v3, v6;
	v4 =	vunpack.i.u.bf16.f32 v4;
	[tilespmem:v16+s11+$0x0] =	vst.idx.add.f32.msk $0xffff, v2  }
0x66: {  	v2 =	vunpack.i.u.bf16.f32 v5;
	[tilespmem:v1+s11+$0x0] =	vst.idx.add.f32.msk $0xffff, v4  }
0x67: {  	p0 =	seq.s32 s15, $0x27;
	v5 =	vunpack.i.u.bf16.f32 v18;
	[tilespmem:v10+s11+$0x0] =	vst.idx.add.f32.msk $0xffff, v2  }
0x68: {  	s16 =	sshrl.u32 @!p0 s16, $0x3;
	[tilespmem:v9+s11+$0x0] =	vst.idx.add.f32.msk $0xffff, v5;
	v2 =	vunpack.i.l.bf16.f32 v13  }
0x69: {  	s16 =	sadd.s32 @!p0 s3, s16;
	v1 =	vunpack.i.u.bf16.f32 v13;
	[tilespmem:v11+s11+$0x0] =	vst.idx.add.f32.msk $0xffff, v2  }
0x6a: {  	s17 =	simm.s32 @!p0 $0x0;
	s18 =	simm.s32 @!p0 $0xF000;
	s16 =	sadd.s32 @!p0 $0x7D0, s16;
	[tilespmem:v3+s11+$0x0] =	vst.idx.add.f32.msk $0xffff, v1  }
0x6b: {  	[tilespmem:s18], [sflag:$0x1] =	stream.linear.gather @!p0 [hbm4b:s16+s17], $0x1F40, $0x38;
	[tilespmem:$0x12F00] =	vst v63  }
0x6c: {  	_ =	swait.ge [sflag:s12], $0x1F40  }
0x6d: {  	[sflag:s12] =	ssyncset.done $0x0  }
0x6e: {  	s31 =	simm.s32 $0x10FA0;
	[sflag:s12] =	ssyncadd.s32 $0xFFFFE0C0  }
0x6f: {  	v1 =	vld [tilespmem:s31+$0x0]  }
0x70: {  	v7 =	vld [tilespmem:s31+$0xFFFFFFF0]  }
0x71: {  	v10 =	vld [tilespmem:s31+$0xFFFFFFE0]  }
0x72: {  	v3 =	vld [tilespmem:s31+$0x10];
	_ =	sdelay $0x2  }
0x73: {  	v2 =	vand.u32 $0x3FFF, v1  }
0x74: {  	v4 =	vshrl.u32 v1, $0xE;
	v1 =	vand.u32 $0x7F, v1;
	v13 =	vshrl.u32 v7, $0xE  }
0x75: {  	v25 =	vshrl.u32 v3, $0xE;
	v18 =	vshrl.u32 v10, $0xE;
	v20 =	vand.u32 $0x3FFF, v7  }
0x76: {  	v5 =	vadd.s32 $0x2800, v2;
	v9 =	vadd.s32 $0x2800, v4;
	v12 =	vand.u32 $0x7F, v13  }
0x77: {  	v14 =	vadd.s32 $0x2800, v13;
	v8 =	vadd.s32 $0x5000, v2;
	v16 =	vadd.s32 $0x2800, v25  }
0x78: {  	v21 =	vadd.s32 $0x2800, v18;
	v23 =	vadd.s32 $0x5000, v20;
	v5 =	vand.u32 $0x7F80, v5  }
0x79: {  	v11 =	vand.u32 $0x7FF80, v9;
	v9 =	vand.u32 $0x3FFF, v10;
	v6 =	vor.u32 v1, v5  }
0x7a: {  	v5 =	vand.u32 $0x7FF80, v14;
	v14 =	vand.u32 $0x7F, v10;
	v17 =	vadd.s32 $0x5000, v9;
	v15 =	vld.idx.msk [tilespmem:v4+s2+$0x0], $0xffff  }
0x7b: {  	v10 =	vadd.s32 $0x2800, v20;
	v5 =	vor.u32 v12, v5;
	v12 =	vadd.s32 $0x2800, v9  }
0x7c: {  	v17 =	vand.u32 $0xFF80, v17;
	v24 =	vand.u32 $0x7F80, v10;
	v10 =	vand.u32 $0x7F, v7  }
0x7d: {  	v7 =	vand.u32 $0xFF80, v23;
	v23 =	vand.u32 $0x7FF80, v21;
	v19 =	vand.u32 $0x7F80, v12;
	v22 =	vld.idx.msk [tilespmem:v13+s2+$0x0], $0xffff  }
0x7e: {  	v12 =	vadd.s32 $0x7800, v20;
	v13 =	vld.idx.msk [tilespmem:v25+s2+$0x0], $0xffff;
	v24 =	vor.u32 v10, v24;
	v7 =	vor.u32 v10, v7  }
0x7f: {  	s16 =	simm.s32 $0x0;
	s17 =	simm.s32 $0x10FE0;
	v21 =	vld.idx.msk [tilespmem:v18+s2+$0x0], $0xffff;
	v25 =	vand.u32 $0x7F, v25;
	v19 =	vor.u32 v14, v19;
	v26 =	vunpack.i.l.bf16.f32 v15  }
.LBB2_7:
0x80: {  	s16 =	sadd.s32 $0x4, s16;
	v17 =	vor.u32 v14, v17;
	v27 =	vadd.s32 $0x7800, v9;
	[tilespmem:v2+s11+$0x0] =	vst.idx.add.f32.msk $0xffff, v26;
	v16 =	vand.u32 $0x7FF80, v16  }
0x81: {  	v8 =	vand.u32 $0xFF80, v8;
	v26 =	vld [tilespmem:s17+$0xFFFFFFF0];
	p0 =	slt.u32 s16, $0x1F0;
	v27 =	vand.u32 $0xFF80, v27;
	v16 =	vor.u32 v25, v16  }
0x82: {  	v25 =	vld [tilespmem:s17+$0xFFFFFFE0];
	v27 =	vor.u32 v14, v27;
	v14 =	vunpack.i.u.bf16.f32 v22;
	v22 =	vunpack.i.l.bf16.f32 v22  }
0x83: {  	v18 =	vand.u32 $0x7F, v18;
	v4 =	vand.u32 $0x7F, v4;
	[tilespmem:v20+s11+$0x0] =	vst.idx.add.f32.msk $0xffff, v22;
	v20 =	vunpack.i.l.bf16.f32 v13  }
0x84: {  	v18 =	vor.u32 v18, v23;
	v4 =	vor.u32 v4, v11;
	[tilespmem:v24+s11+$0x0] =	vst.idx.add.f32.msk $0xffff, v14;
	v14 =	vunpack.i.u.bf16.f32 v15  }
0x85: {  	v11 =	vunpack.i.u.bf16.f32 v21;
	v15 =	vunpack.i.l.bf16.f32 v21;
	[tilespmem:v6+s11+$0x0] =	vst.idx.add.f32.msk $0xffff, v14;
	v14 =	vor.u32 v1, v8  }
0x86: {  	v2 =	vadd.s32 $0x7800, v2;
	v6 =	vand.u32 $0x3FFF, v3;
	[tilespmem:v9+s11+$0x0] =	vst.idx.add.f32.msk $0xffff, v15  }
0x87: {  	v9 =	vadd.s32 $0x2800, v6;
	v15 =	vadd.s32 $0x5000, v6;
	v21 =	vadd.s32 $0x7800, v6;
	v8 =	vld [tilespmem:s17+$0x0]  }
0x88: {  	v9 =	vand.u32 $0x7F80, v9;
	[tilespmem:v19+s11+$0x0] =	vst.idx.add.f32.msk $0xffff, v11;
	v11 =	vand.u32 $0x7F, v3;
	v3 =	vand.u32 $0xFF80, v21  }
0x89: {  	v2 =	vand.u32 $0xFF80, v2;
	v5 =	vld.idx.msk [tilespmem:v5+s2+$0x0], $0xffff;
	v9 =	vor.u32 v11, v9;
	v19 =	vor.u32 v11, v3  }
0x8a: {  	v22 =	vor.u32 v1, v2;
	v21 =	vld.idx.msk [tilespmem:v4+s2+$0x0], $0xffff  }
0x8b: {  	v1 =	vand.u32 $0xFF80, v12;
	v12 =	vunpack.i.u.bf16.f32 v13;
	v18 =	vld.idx.msk [tilespmem:v18+s2+$0x0], $0xffff  }
0x8c: {  	v10 =	vor.u32 v10, v1;
	v4 =	vshrl.u32 v8, $0xE;
	v2 =	vand.u32 $0x3FFF, v8;
	v3 =	vld [tilespmem:s17+$0x10]  }
0x8d: {  	v1 =	vand.u32 $0x7F, v8;
	v13 =	vadd.s32 $0x2800, v2;
	v23 =	vadd.s32 $0x2800, v4;
	[tilespmem:v6+s11+$0x0] =	vst.idx.add.f32.msk $0xffff, v20  }
0x8e: {  	v24 =	vshrl.u32 v26, $0xE;
	v6 =	vand.u32 $0x7F80, v13;
	[tilespmem:v9+s11+$0x0] =	vst.idx.add.f32.msk $0xffff, v12;
	v9 =	vand.u32 $0xFF80, v15  }
0x8f: {  	v12 =	vand.u32 $0x7F, v24;
	v13 =	vadd.s32 $0x2800, v24;
	v15 =	vunpack.i.l.bf16.f32 v5;
	v28 =	vld.idx.msk [tilespmem:v16+s2+$0x0], $0xffff  }
0x90: {  	v8 =	vadd.s32 $0x5000, v2;
	v20 =	vor.u32 v11, v9;
	[tilespmem:v7+s11+$0x0] =	vst.idx.add.f32.msk $0xffff, v15;
	v7 =	vunpack.i.l.bf16.f32 v21  }
0x91: {  	v6 =	vor.u32 v1, v6;
	v11 =	vand.u32 $0x7FF80, v23;
	v9 =	vunpack.i.l.bf16.f32 v18;
	[tilespmem:v14+s11+$0x0] =	vst.idx.add.f32.msk $0xffff, v7  }
0x92: {  	v7 =	vand.u32 $0x7FF80, v13;
	v13 =	vunpack.i.u.bf16.f32 v18;
	[tilespmem:v17+s11+$0x0] =	vst.idx.add.f32.msk $0xffff, v9;
	v9 =	vunpack.i.u.bf16.f32 v5  }
0x93: {  	v29 =	vshrl.u32 v3, $0xE;
	v5 =	vor.u32 v12, v7;
	v7 =	vunpack.i.u.bf16.f32 v21;
	[tilespmem:v10+s11+$0x0] =	vst.idx.add.f32.msk $0xffff, v9  }
0x94: {  	v14 =	vand.u32 $0x7F, v25;
	v16 =	vadd.s32 $0x2800, v29;
	v9 =	vand.u32 $0x3FFF, v25;
	v15 =	vld.idx.msk [tilespmem:v4+s2+$0x0], $0xffff  }
0x95: {  	v10 =	vadd.s32 $0x2800, v9;
	v12 =	vadd.s32 $0x5000, v9;
	[tilespmem:v27+s11+$0x0] =	vst.idx.add.f32.msk $0xffff, v13;
	v13 =	vunpack.i.l.bf16.f32 v28  }
0x96: {  	v18 =	vshrl.u32 v25, $0xE;
	v25 =	vand.u32 $0x7F80, v10;
	v17 =	vand.u32 $0xFF80, v12;
	[tilespmem:v20+s11+$0x0] =	vst.idx.add.f32.msk $0xffff, v13  }
.Ltmp2:
0x97: {  	v21 =	vadd.s32 $0x2800, v18;
	v20 =	vand.u32 $0x3FFF, v26;
	[tilespmem:v22+s11+$0x0] =	vst.idx.add.f32.msk $0xffff, v7;
	v7 =	vunpack.i.u.bf16.f32 v28;
	(pc) =	sbr.rel @p0 .LBB2_7-.Ltmp2, $4  }
0x98: {  	v10 =	vadd.s32 $0x2800, v20;
	v13 =	vadd.s32 $0x5000, v20;
	v12 =	vadd.s32 $0x7800, v20;
	v22 =	vld.idx.msk [tilespmem:v24+s2+$0x0], $0xffff  }
0x99: {  	v24 =	vand.u32 $0x7F80, v10;
	v10 =	vand.u32 $0x7F, v26;
	v27 =	vand.u32 $0xFF80, v13;
	v13 =	vld.idx.msk [tilespmem:v29+s2+$0x0], $0xffff  }
0x9a: {  	v23 =	vand.u32 $0x7FF80, v21;
	v24 =	vor.u32 v10, v24;
	v26 =	vunpack.i.l.bf16.f32 v15;
	[tilespmem:v19+s11+$0x0] =	vst.idx.add.f32.msk $0xffff, v7  }
0x9b: {  	s17 =	sadd.s32 $0x40, s17;
	v19 =	vor.u32 v14, v25;
	v7 =	vor.u32 v10, v27;
	v25 =	vand.u32 $0x7F, v29;
	v21 =	vld.idx.msk [tilespmem:v18+s2+$0x0], $0xffff  }
0x9c: {  	_ =	sdelay $0x3  }
0x9d: {  	[tilespmem:v2+s11+$0x0] =	vst.idx.add.f32.msk $0xffff, v26;
	v15 =	vunpack.i.u.bf16.f32 v15  }
0x9e: {  	v18 =	vand.u32 $0x7F, v18;
	v4 =	vand.u32 $0x7F, v4;
	v47 =	vunpack.i.l.bf16.f32 v22;
	[tilespmem:v6+s11+$0x0] =	vst.idx.add.f32.msk $0xffff, v15  }
0x9f: {  	v49 =	vand.u32 $0x3FFF, v3;
	v48 =	vunpack.i.u.bf16.f32 v22;
	v4 =	vor.u32 v4, v11;
	[tilespmem:v20+s11+$0x0] =	vst.idx.add.f32.msk $0xffff, v47  }
0xa0: {  	v18 =	vor.u32 v18, v23;
	v51 =	vadd.s32 $0x2800, v49;
	[tilespmem:v24+s11+$0x0] =	vst.idx.add.f32.msk $0xffff, v48  }
0xa1: {  	v3 =	vand.u32 $0x7F, v3;
	v6 =	vand.u32 $0x7F80, v51;
	v50 =	vunpack.i.l.bf16.f32 v21;
	v5 =	vld.idx.msk [tilespmem:v5+s2+$0x0], $0xffff  }
0xa2: {  	v16 =	vand.u32 $0x7FF80, v16;
	v6 =	vor.u32 v3, v6;
	v52 =	vunpack.i.u.bf16.f32 v21;
	[tilespmem:v9+s11+$0x0] =	vst.idx.add.f32.msk $0xffff, v50  }
0xa3: {  	v53 =	vor.u32 v25, v16;
	[tilespmem:v19+s11+$0x0] =	vst.idx.add.f32.msk $0xffff, v52  }
0xa4: {  	v54 =	vor.u32 v14, v17;
	v55 =	vadd.s32 $0x7800, v9;
	v8 =	vand.u32 $0xFF80, v8;
	v4 =	vld.idx.msk [tilespmem:v4+s2+$0x0], $0xffff  }
0xa5: {  	v2 =	vadd.s32 $0x7800, v2;
	v8 =	vor.u32 v1, v8;
	v56 =	vunpack.i.l.bf16.f32 v13;
	v18 =	vld.idx.msk [tilespmem:v18+s2+$0x0], $0xffff  }
0xa6: {  	v12 =	vand.u32 $0xFF80, v12;
	v2 =	vand.u32 $0xFF80, v2;
	v57 =	vunpack.i.u.bf16.f32 v13;
	[tilespmem:v49+s11+$0x0] =	vst.idx.add.f32.msk $0xffff, v56  }
0xa7: {  	v58 =	vadd.s32 $0x5000, v49;
	v10 =	vor.u32 v10, v12;
	v1 =	vor.u32 v1, v2;
	[tilespmem:v6+s11+$0x0] =	vst.idx.add.f32.msk $0xffff, v57  }
0xa8: {  	v59 =	vadd.s32 $0x7800, v49;
	v9 =	vand.u32 $0xFF80, v55;
	v61 =	vunpack.i.l.bf16.f32 v5;
	v13 =	vld.idx.msk [tilespmem:v53+s2+$0x0], $0xffff  }
0xa9: {  	v60 =	vand.u32 $0xFF80, v58;
	v9 =	vor.u32 v14, v9;
	[tilespmem:v7+s11+$0x0] =	vst.idx.add.f32.msk $0xffff, v61;
	v62 =	vunpack.i.l.bf16.f32 v4  }
0xaa: {  	s15 =	sadd.s32 $0x1, s15;
	v11 =	vor.u32 v3, v60;
	v6 =	vand.u32 $0xFF80, v59;
	v2 =	vunpack.i.l.bf16.f32 v18;
	[tilespmem:v8+s11+$0x0] =	vst.idx.add.f32.msk $0xffff, v62  }
0xab: {  	p0 =	sne.s32 s15, $0x28;
	v3 =	vor.u32 v3, v6;
	v4 =	vunpack.i.u.bf16.f32 v4;
	[tilespmem:v54+s11+$0x0] =	vst.idx.add.f32.msk $0xffff, v2  }
.Ltmp3:
0xac: {  	v2 =	vunpack.i.u.bf16.f32 v5;
	[tilespmem:v1+s11+$0x0] =	vst.idx.add.f32.msk $0xffff, v4;
	(pc) =	sbr.rel @p0 .LBB2_4-.Ltmp3, $4  }
0xad: {  	v63 =	vunpack.i.u.bf16.f32 v18;
	[tilespmem:v10+s11+$0x0] =	vst.idx.add.f32.msk $0xffff, v2  }
0xae: {  	[tilespmem:v9+s11+$0x0] =	vst.idx.add.f32.msk $0xffff, v63;
	v2 =	vunpack.i.l.bf16.f32 v13  }
0xaf: {  	v1 =	vunpack.i.u.bf16.f32 v13;
	[tilespmem:v11+s11+$0x0] =	vst.idx.add.f32.msk $0xffff, v2  }
0xb0: {  	[tilespmem:v3+s11+$0x0] =	vst.idx.add.f32.msk $0xffff, v1  }
0xb1: {  	s14 =	sadd.s32 $0x1, s14  }
0xb2: {  	p0 =	sne.s32 s14, s6  }
.Ltmp4:
0xb3: {  	_ = 	snop;
	(pc) =	sbr.rel @p0 .LBB2_1-.Ltmp4, $4  }
0xb4: {  	[hbm4b:s5+s2] =	stream.linear.scatter [tilespmem:s11], [sflag:$0x4], $0xA000, $0x38;
	[tilespmem:$0x12F00] =	vst v63  }
0xb5: {  	_ =	swait.ge [sflag:s13], $0xA000  }
0xb6: {  	[sflag:s13] =	ssyncset.done $0x0  }
0xb7: {  	[sflag:s13] =	ssyncadd.s32 $0xFFFF6000  }
0xb8: {  	_ =	sfence.sel $0x180000  }
0xb9: {  	[bflag:$0x0] =	sbarrier.arrive $0xFFFF  }
0xba: {  	p0 =	sne.s32 s0, $0x0;
	_ =	strace $0x9000004A  }
0xbb: {  	s0 =	sadd.s32 @!p0 $0x100000, s1;
	[bflag:$0x2] =	sbarrier.arrive $0xFFFF  }
0xbc: {  	[sflag:s0] =	ssyncadd.tile.s32 @!p0 $0x1;
	_ =	shalt  }
.Lfunc_end2:
_tile_overlayer_lowered:
.L_overlay_start_2:
0xbd: {  	(tag) =	ssettag $0x2  }
0xbe: {  	s0 =	rddreg [dreg:$0x0];
	s2 =	stileid.u32  }
0xbf: {  	s1 =	rddreg [dreg:$0x1];
	p0 =	sne.s32 s2, $0x0  }
0xc0: {  	s3 =	rddreg [dreg:$0x2];
	[bflag:$0x3] =	sbarrier.arrive $0xFFFF;
	s2 =	simm.s32 @!p0 $0x1C04  }
0xc1: {  	[timem:s3], [sflag:s2] =	dma.local @!p0 [hbm:s0], s1  }
0xc2: {  	s0 =	simm.s32 @!p0 $0x4  }
0xc3: {  	_ =	swait.ge @!p0 [sflag:s0], s1  }
0xc4: {  	s1 =	ssub.s32 @!p0 $0x0, s1;
	[sflag:s0] =	ssyncset.done @!p0 $0x0  }
0xc5: {  	[sflag:s0] =	ssyncadd.s32 @!p0 s1  }
0xc6: {  	[bflag:$0x3] =	sbarrier.arrive $0xFFFF  }
0xc7: {  	_ =	shalt  }

// kernel: kernel.7.cloned.1.call-start
scs
__scs_entry_jumppad:
0x0: {  	(pc) =	sbr.rel $0x88, $3  }
0x1: {  	(tag) =	ssettag $0x0;
	lr =	simm.s32 $0x1  }
0x2: {  	[smem:$0x3F91] =	sst lr;
	_ =	strace $0xD0000000  }
0x3: {  	_ = 	snop  }
0x4: {  	_ = 	snop  }
0x5: {  	_ = 	snop  }
0x6: {  	_ = 	snop  }
0x7: {  	_ = 	snop  }
__scs_overlays_trampoline_lowered:
0x8: {  	[smem:$0x3FA0] =	sst s0  }
0x9: {  	[smem:$0x3FA1] =	sst s1  }
0xa: {  	[smem:$0x3FA2] =	sst s2  }
0xb: {  	[smem:$0x3FA3] =	sst s3  }
0xc: {  	[smem:$0x3FA4] =	sst s4  }
0xd: {  	[smem:$0x3FA5] =	sst s5  }
0xe: {  	[smem:$0x3FA6] =	sst s6  }
0xf: {  	[smem:$0x3FA7] =	sst s7  }
0x10: {  	[smem:$0x3FA8] =	sst s8  }
0x11: {  	[smem:$0x3FA9] =	sst s9;
	s0 =	simm.s32 @!p0 $0x0  }
0x12: {  	s1 =	sld [smem:$0x3F8F];
	s0 =	simm.s32 @p0 $0x1  }
0x13: {  	[smem:$0x3FAA] =	sst s0;
	s0 =	simm.s32 @!p1 $0x0  }
0x14: {  	s2 =	sld [smem:$0x3F8E];
	s0 =	simm.s32 @p1 $0x1  }
0x15: {  	[smem:$0x3FAB] =	sst s0;
	s0 =	simm.s32 @!p2 $0x0  }
0x16: {  	s3 =	sld [smem:$0x3FDB];
	s0 =	simm.s32 @p2 $0x1  }
0x17: {  	s4 =	simm.s32 $0x1BF5;
	[smem:$0x3FAD] =	sst s0  }
0x18: {  	s0 =	sld [smem:$0x3F90];
	_ =	swait.ge [sflag:s4], $0x0  }
0x19: {  	s7 =	sld [smem:$0x3F91]  }
0x1a: {  	s8 =	sadd.s32 $0xFFFFE003, lr  }
0x1b: {  	s9 =	sadd.s32 $0xFFFFFEF7, lr;
	s5 =	simm.s32 $0xFFFFFFFF;
	p2 =	slt.u32 s8, $0xFFFFF086  }
0x1c: {  	p1 =	slt.u32 s9, $0xF7A;
	s5 =	simm.s32 @!p2 $0x0  }
0x1d: {  	s5 =	simm.s32 @p1 $0x1;
	p0 =	seq.s32 s7, s2  }
0x1e: {  	s7 =	smul.u32 @!p0 $0xF7A, s2;
	p2 =	seq.s32 @!p0 s5, $0x0  }
0x1f: {  	s9 =	smul.u32 $0xF7A, s1;
	s8 =	simm.s32 @!p0 $0x1BF5;
	p2 =	por !p2, p0  }
0x20: {  	[sflag:s8] =	ssyncset.s32 @!p0 $0xFFFFF086;
	s6 =	sadd.s32 @!p0 s3, s7;
	s7 =	simm.s32 @!p0 $0x108  }
0x21: {  	s3 =	sadd.s32 s3, s9;
	s6 =	sadd.s32 @!p0 $0x88, s6;
	s7 =	simm.s32 @p2 $0x1082  }
0x22: {  	[simem:s7], [sflag:s8] =	dma.local @!p0 [hbm:s6], $0xF7A  }
0x23: {  	s9 =	sor.u32 $0xD0000000, s2;
	s6 =	simm.s32 $0x108;
	_ =	swait.ge @!p0 [sflag:s8], $0x0  }
0x24: {  	s3 =	sadd.s32 $0x88, s3;
	s6 =	simm.s32 @!p1 $0x1082;
	[sflag:s4] =	ssyncset.s32 $0xFFFFF086  }
0x25: {  	[simem:s6], [sflag:s4] =	dma.local [hbm:s3], $0xF7A  }
0x26: {  	[smem:$0x3F91] =	sst s1;
	(tag) =	ssettag s2;
	_ =	strace s9  }
0x27: {  	s1 =	sld [smem:$0x3FA1]  }
0x28: {  	s2 =	sld [smem:$0x3FA2]  }
0x29: {  	s4 =	sld [smem:$0x3FA4]  }
0x2a: {  	p0 =	seq.s32 s5, $0x0;
	s5 =	sld [smem:$0x3FA5]  }
0x2b: {  	s6 =	sld [smem:$0x3FA6]  }
0x2c: {  	s7 =	sld [smem:$0x3FA7]  }
0x2d: {  	s3 =	simm.s32 $0x108;
	s8 =	sld [smem:$0x3FA8]  }
0x2e: {  	s3 =	simm.s32 @!p0 $0x1082;
	s9 =	sld [smem:$0x3FA9]  }
0x2f: {  	lr =	sadd.s32 s0, s3;
	s0 =	sld [smem:$0x3FA0]  }
0x30: {  	s3 =	sld [smem:$0x3FA3]  }
0x31: {  	[smem:$0x3FAC] =	sst s10  }
0x32: {  	s10 =	sld [smem:$0x3FAA];
	_ =	sdelay $0x3  }
0x33: {  	p0 =	seq.s32 s10, $0x1;
	s10 =	sld [smem:$0x3FAC];
	_ =	sdelay $0x3  }
0x34: {  	[smem:$0x3FAC] =	sst s10  }
0x35: {  	s10 =	sld [smem:$0x3FAB];
	_ =	sdelay $0x3  }
0x36: {  	p1 =	seq.s32 s10, $0x1;
	s10 =	sld [smem:$0x3FAC];
	_ =	sdelay $0x3  }
0x37: {  	[smem:$0x3FAC] =	sst s10  }
0x38: {  	s10 =	sld [smem:$0x3FAD]  }
0x39: {  	_ = 	snop;
	(pc) =	sbr.ind lr, $3  }
0x3a: {  	_ = 	snop  }
0x3b: {  	_ = 	snop  }
0x3c: {  	p2 =	seq.s32 s10, $0x1;
	s10 =	sld [smem:$0x3FAC]  }
0x3d: {  	_ =	shalt  }
0x3e: {  	_ =	shalt  }
0x3f: {  	_ =	shalt  }
0x40: {  	_ =	shalt  }
0x41: {  	_ =	shalt  }
0x42: {  	_ =	shalt  }
0x43: {  	_ =	shalt  }
0x44: {  	_ =	shalt  }
0x45: {  	_ =	shalt  }
0x46: {  	_ =	shalt  }
0x47: {  	_ =	shalt  }
0x48: {  	_ =	shalt  }
0x49: {  	_ =	shalt  }
0x4a: {  	_ =	shalt  }
0x4b: {  	_ =	shalt  }
0x4c: {  	_ =	shalt  }
0x4d: {  	_ =	shalt  }
0x4e: {  	_ =	shalt  }
0x4f: {  	_ =	shalt  }
0x50: {  	_ =	shalt  }
0x51: {  	_ =	shalt  }
0x52: {  	_ =	shalt  }
0x53: {  	_ =	shalt  }
0x54: {  	_ =	shalt  }
0x55: {  	_ =	shalt  }
0x56: {  	_ =	shalt  }
0x57: {  	_ =	shalt  }
0x58: {  	_ =	shalt  }
0x59: {  	_ =	shalt  }
0x5a: {  	_ =	shalt  }
0x5b: {  	_ =	shalt  }
0x5c: {  	_ =	shalt  }
0x5d: {  	_ =	shalt  }
0x5e: {  	_ =	shalt  }
0x5f: {  	_ =	shalt  }
0x60: {  	_ =	shalt  }
0x61: {  	_ =	shalt  }
0x62: {  	_ =	shalt  }
0x63: {  	_ =	shalt  }
0x64: {  	_ =	shalt  }
0x65: {  	_ =	shalt  }
0x66: {  	_ =	shalt  }
0x67: {  	_ =	shalt  }
0x68: {  	_ =	shalt  }
0x69: {  	_ =	shalt  }
0x6a: {  	_ =	shalt  }
0x6b: {  	_ =	shalt  }
0x6c: {  	_ =	shalt  }
0x6d: {  	_ =	shalt  }
0x6e: {  	_ =	shalt  }
0x6f: {  	_ =	shalt  }
0x70: {  	_ =	shalt  }
0x71: {  	_ =	shalt  }
0x72: {  	_ =	shalt  }
0x73: {  	_ =	shalt  }
0x74: {  	_ =	shalt  }
0x75: {  	_ =	shalt  }
0x76: {  	_ =	shalt  }
0x77: {  	_ =	shalt  }
0x78: {  	_ =	shalt  }
0x79: {  	_ =	shalt  }
0x7a: {  	_ =	shalt  }
0x7b: {  	_ =	shalt  }
0x7c: {  	_ =	shalt  }
0x7d: {  	_ =	shalt  }
0x7e: {  	_ =	shalt  }
0x7f: {  	_ =	shalt  }
0x80: {  	_ =	shalt  }
0x81: {  	_ =	shalt  }
0x82: {  	_ =	shalt  }
0x83: {  	_ =	shalt  }
0x84: {  	_ =	shalt  }
0x85: {  	_ =	shalt  }
0x86: {  	_ =	shalt  }
0x87: {  	_ =	shalt  }
.Lfunc_end0:
.L_simem_size_0:
called_computation_lowered:
.L_overlay_start_0:
0x88: {  	s2 =	sld [smem:$0x3FD9]  }
0x89: {  	s3 =	sld [smem:$0x3FFE];
	_ =	sdelay $0x1  }
0x8a: {  	s1 =	srdreg.scid  }
0x8b: {  	s0 =	sand.u32 $0x1, s1  }
0x8c: {  	s17 =	sshll.u32 s0, $0xA;
	s2 =	sadd.s32 s3, s2  }
0x8d: {  	s2 =	sadd.s32 s2, s17  }
0x8e: {  	[smem:$0x3FB8] =	sst s2  }
0x8f: {  	_ = 	snop  }
0x90: {  	s2 =	sld [smem:$0x3FD0];
	(tm) =	ssettm $0x1  }
0x91: {  	s18 =	sld [smem:$0x3FFB];
	_ =	sdelay $0x3  }
0x92: {  	_ =	strace s18  }
0x93: {  	s3 =	sld [smem:$0x3FFC];
	_ =	sdelay $0x3  }
0x94: {  	_ =	strace s3  }
0x95: {  	s3 =	sld [smem:$0x3FFD];
	_ =	sdelay $0x3  }
0x96: {  	_ =	strace s3  }
0x97: {  	_ =	strace $0x8FFFFFFF  }
0x98: {  	s19 =	sld [smem:$0x3FDB];
	_ =	sdelay $0x1  }
0x99: {  	s4 =	simm.s32 $_scs_section_size  }
0x9a: {  	s5 =	simm.s32 $_size__tile_overlayer_lowered;
	s6 =	simm.s32 $_tile_overlayer_lowered  }
0x9b: {  	s22 =	simm.s32 $0x1BFF;
	s21 =	sshll.u32 s6, $0x1;
	s3 =	sadd.s32 s4, s19  }
0x9c: {  	s7 =	simm.s32 $0x0;
	s20 =	sshll.u32 s5, $0x1;
	s5 =	sadd.s32 s21, s3  }
0x9d: {  	[timem:s7], [sflag:s22] =	dma.local [hbm:s5], s20  }
0x9e: {  	_ =	swait.ge [sflag:s22], s20  }
0x9f: {  	s4 =	ssub.s32 $0x0, s20;
	[sflag:s22] =	ssyncset.done $0x0  }
0xa0: {  	[sflag:s22] =	ssyncadd.s32 s4;
	_ =	sdelay $0x1  }
0xa1: {  	s23 =	simm.s32 $0x1B8B  }
0xa2: {  	_ =	swait.ge [sflag:s23], $0x1  }
0xa3: {  	[sflag:s23] =	ssyncset.done $0x0  }
0xa4: {  	s25 =	simm.s32 $0x1B8E;
	s24 =	sld [smem:$0x3FFE];
	[sflag:s23] =	ssyncadd.s32 $0xFFFFFFFF  }
0xa5: {  	s26 =	simm.s32 $execute0_lowered;
	[smem:$0x3FD2] =	sst s25  }
0xa6: {  	s5 =	sshll.u32 s26, $0x1;
	_ =	strace $0x80000046;
	[dreg:$0x1] =	wrdreg $0xFFFFFFFF  }
0xa7: {  	s28 =	simm.s32 $_size_execute0_lowered;
	s3 =	sadd.s32 s3, s5;
	[dreg:$0x0] =	wrdreg $0x0  }
0xa8: {  	s5 =	sshll.u32 s28, $0x1;
	[dreg:$0x2] =	wrdreg s3  }
0xa9: {  	[dreg:$0x3] =	wrdreg s5  }
0xaa: {  	[dreg:$0x4] =	wrdreg $0xC0  }
0xab: {  	_ =	task [dreg:s7], $0x5FFFF  }
0xac: {  	[dreg:$0x1] =	wrdreg $0xFFFFFFFF  }
0xad: {  	[dreg:$0x0] =	wrdreg $0x60  }
0xae: {  	[dreg:$0x2] =	wrdreg s2  }
0xaf: {  	[dreg:$0x3] =	wrdreg s24  }
0xb0: {  	[dreg:$0x4] =	wrdreg $0x9  }
0xb1: {  	_ =	task.clear_ibuf [dreg:s7], $0x5FFFF;
	_ =	strace $0x90000046  }
0xb2: {  	s29 =	simm.s32 $0x9;
	_ =	strace $0x80000048  }
0xb3: {  	_ =	swait.ge [sflag:s29], $0x1  }
0xb4: {  	[sflag:s29] =	ssyncadd.s32 $0xFFFFFFFF  }
0xb5: {  	_ =	strace $0x90000048  }
0xb6: {  	_ =	sfence  }
0xb7: {  	s30 =	sld [smem:$0x0];
	_ =	sdelay $0x2  }
0xb8: {  	s31 =	sshll.u32 s1, $0xD;
	s1 =	sshrl.u32 s1, $0x2  }
0xb9: {  	s3 =	sand.u32 $0x4000, s31;
	s1 =	sadd.s32 s1, s30  }
0xba: {  	s0 =	sor.u32 s3, s0;
	s1 =	sshll.u32 s1, $0x11  }
0xbb: {  	s0 =	sor.u32 s1, s0  }
0xbc: {  	s0 =	sadd.s32 $0x8F2B, s0  }
0xbd: {  	[sflag:s0] =	ssyncadd.remote.s32 $0x1  }
0xbe: {  	_ =	sfence.sel $0xFFFF  }
0xbf: {  	[dreg:$0x0] =	wrdreg $0xFFFFFFFF;
	(pc) =	sbr.abs _section_cstart, $3  }
0xc0: {  	[dreg:$0x1] =	wrdreg $0xFFFFFFFF  }
0xc1: {  	_ =	task.clear_ibuf [dreg:s7], $0x2FFFF;
	_ =	strace $0x9FFFFFFF  }
0xc2: {  	(tm) =	ssettm $0x7FFFFFFF  }
0xc3: {  	_ =	shalt  }
tec
execute0_lowered:
.L_overlay_start_1:
0x0: {  	(tag) =	ssettag $0x1  }
0x1: {  	s4 =	rddreg [dreg:$0x0];
	s1 =	srdreg.scid  }
0x2: {  	s0 =	stileid.u32;
	s5 =	rddreg [dreg:$0x1];
	s2 =	simm.s32 $0x0  }
0x3: {  	s9 =	simm.s32 $0x10F80;
	s10 =	simm.s32 $0x1;
	s11 =	simm.s32 $0x5000  }
0x4: {  	s12 =	simm.s32 $0x2;
	s3 =	sand.u32 $0x1, s1;
	s6 =	sshll.u32 s0, $0x1  }
0x5: {  	s13 =	simm.s32 $0x4;
	s1 =	rddreg [dreg:$0x2];
	s6 =	sor.u32 s3, s6  }
0x6: {  	s14 =	simm.s32 $0x0;
	[smem:$0x7FF] =	sst s2;
	s7 =	smul.u32 $0x1400, s6  }
0x7: {  	_ =	strace $0x80000047;
	s8 =	ssub.s32 $0x2, s3;
	s6 =	smul.u32 $0xA00, s6  }
0x8: {  	s3 =	sadd.s32 $0x3200, s5;
	s31 =	sshrl.u32 s8, $0x1;
	s5 =	sadd.s32 s7, s5  }
0x9: {  	s7 =	ssub.s32 s8, s31;
	s4 =	sadd.s32 s4, s6;
	s8 =	simm.s32 $0xF000  }
0xa: {  	v0 =	vimm.f32 $0.0e+00;
	s5 =	sadd.s32 $0x16C00, s5;
	s6 =	smax.u32 s7, $0x1;
	s7 =	simm.s32 $0x3  }
.LBB2_1:
0xb: {  	[tilespmem:s2], [sflag:$0x3] =	stream.linear.gather [hbm4b:s4+s2], $0x5000, $0x38;
	[tilespmem:$0x12F00] =	vst v63  }
0xc: {  	s15 =	simm.s32 $0x5040  }
0xd: {  	[tilespmem:s15+$0xFFFFFFC0] =	vst v0  }
0xe: {  	[tilespmem:s15+$0x30] =	vst v0  }
0xf: {  	[tilespmem:s15+$0x20] =	vst v0  }
0x10: {  	[tilespmem:s15+$0x10] =	vst v0  }
0x11: {  	[tilespmem:s15+$0x0] =	vst v0  }
0x12: {  	[tilespmem:s15+$0xFFFFFFF0] =	vst v0  }
0x13: {  	s16 =	simm.s32 $0x0;
	[tilespmem:s15+$0xFFFFFFE0] =	vst v0  }
.LBB2_2:
0x14: {  	s16 =	sadd.s32 $0x8, s16;
	[tilespmem:s15+$0xFFFFFFD0] =	vst v0;
	s15 =	sadd.s32 $0x80, s15  }
0x15: {  	[tilespmem:s15+$0xFFFFFFC0] =	vst v0;
	p0 =	slt.u32 s16, $0x9F8  }
0x16: {  	[tilespmem:s15+$0x30] =	vst v0  }
.Ltmp0:
0x17: {  	[tilespmem:s15+$0x20] =	vst v0;
	(pc) =	sbr.rel @p0 .LBB2_2-.Ltmp0, $4  }
0x18: {  	[tilespmem:s15+$0x10] =	vst v0  }
0x19: {  	[tilespmem:s15+$0x0] =	vst v0  }
0x1a: {  	[tilespmem:s15+$0xFFFFFFF0] =	vst v0  }
0x1b: {  	[tilespmem:s15+$0xFFFFFFE0] =	vst v0  }
0x1c: {  	[tilespmem:s15+$0xFFFFFFD0] =	vst v0  }
0x1d: {  	_ =	swait.ge [sflag:s7], $0x5000  }
0x1e: {  	[sflag:s7] =	ssyncset.done $0x0  }
0x1f: {  	s15 =	simm.s32 $0x0;
	[sflag:s7] =	ssyncadd.s32 $0xFFFFB000  }
0x20: {  	[tilespmem:s8], [sflag:$0x1] =	stream.linear.gather [hbm4b:s3+s15], $0x1F40, $0x38;
	[tilespmem:$0x12F00] =	vst v63  }
.LBB2_4:
0x21: {  	s16 =	smul.u32 $0x3E80, s15;
	_ =	sdelay $0x1  }
0x22: {  	s17 =	sshrl.u32 s16, $0x3  }
0x23: {  	s17 =	sadd.s32 s3, s17  }
0x24: {  	s17 =	sadd.s32 $0x3E8, s17  }
0x25: {  	[tilespmem:s9], [sflag:$0x2] =	stream.linear.gather [hbm4b:s17+s2], $0x1F40, $0x38;
	[tilespmem:$0x12F00] =	vst v63  }
0x26: {  	_ =	swait.ge [sflag:s10], $0x1F40  }
0x27: {  	[sflag:s10] =	ssyncset.done $0x0  }
0x28: {  	s31 =	simm.s32 $0xF020;
	[sflag:s10] =	ssyncadd.s32 $0xFFFFE0C0  }
0x29: {  	v1 =	vld [tilespmem:s31+$0x0]  }
0x2a: {  	v7 =	vld [tilespmem:s31+$0xFFFFFFF0]  }
0x2b: {  	v10 =	vld [tilespmem:s31+$0xFFFFFFE0]  }
0x2c: {  	v3 =	vld [tilespmem:s31+$0x10];
	_ =	sdelay $0x2  }
0x2d: {  	v2 =	vand.u32 $0x3FFF, v1  }
0x2e: {  	v4 =	vshrl.u32 v1, $0xE;
	v1 =	vand.u32 $0x7F, v1;
	v13 =	vshrl.u32 v7, $0xE  }
0x2f: {  	v25 =	vshrl.u32 v3, $0xE;
	v18 =	vshrl.u32 v10, $0xE;
	v20 =	vand.u32 $0x3FFF, v7  }
0x30: {  	v5 =	vadd.s32 $0x2800, v2;
	v9 =	vadd.s32 $0x2800, v4;
	v12 =	vand.u32 $0x7F, v13  }
0x31: {  	v14 =	vadd.s32 $0x2800, v13;
	v8 =	vadd.s32 $0x5000, v2;
	v16 =	vadd.s32 $0x2800, v25  }
0x32: {  	v21 =	vadd.s32 $0x2800, v18;
	v23 =	vadd.s32 $0x5000, v20;
	v5 =	vand.u32 $0x7F80, v5  }
0x33: {  	v11 =	vand.u32 $0x7FF80, v9;
	v9 =	vand.u32 $0x3FFF, v10;
	v6 =	vor.u32 v1, v5  }
0x34: {  	v5 =	vand.u32 $0x7FF80, v14;
	v14 =	vand.u32 $0x7F, v10;
	v17 =	vadd.s32 $0x5000, v9;
	v15 =	vld.idx.msk [tilespmem:v4+s2+$0x0], $0xffff  }
0x35: {  	v10 =	vadd.s32 $0x2800, v20;
	v5 =	vor.u32 v12, v5;
	v12 =	vadd.s32 $0x2800, v9  }
0x36: {  	v17 =	vand.u32 $0xFF80, v17;
	v24 =	vand.u32 $0x7F80, v10;
	v10 =	vand.u32 $0x7F, v7  }
0x37: {  	v7 =	vand.u32 $0xFF80, v23;
	v23 =	vand.u32 $0x7FF80, v21;
	v19 =	vand.u32 $0x7F80, v12;
	v22 =	vld.idx.msk [tilespmem:v13+s2+$0x0], $0xffff  }
0x38: {  	v12 =	vadd.s32 $0x7800, v20;
	v13 =	vld.idx.msk [tilespmem:v25+s2+$0x0], $0xffff;
	v24 =	vor.u32 v10, v24;
	v7 =	vor.u32 v10, v7  }
0x39: {  	s18 =	simm.s32 $0xF060;
	s17 =	simm.s32 $0x0;
	v21 =	vld.idx.msk [tilespmem:v18+s2+$0x0], $0xffff;
	v25 =	vand.u32 $0x7F, v25;
	v19 =	vor.u32 v14, v19;
	v26 =	vunpack.i.l.bf16.f32 v15  }
.LBB2_5:
0x3a: {  	s17 =	sadd.s32 $0x4, s17;
	v17 =	vor.u32 v14, v17;
	v27 =	vadd.s32 $0x7800, v9;
	[tilespmem:v2+s11+$0x0] =	vst.idx.add.f32.msk $0xffff, v26;
	v16 =	vand.u32 $0x7FF80, v16  }
0x3b: {  	v8 =	vand.u32 $0xFF80, v8;
	v26 =	vld [tilespmem:s18+$0xFFFFFFF0];
	p0 =	slt.u32 s17, $0x1F0;
	v27 =	vand.u32 $0xFF80, v27;
	v16 =	vor.u32 v25, v16  }
0x3c: {  	v25 =	vld [tilespmem:s18+$0xFFFFFFE0];
	v27 =	vor.u32 v14, v27;
	v14 =	vunpack.i.u.bf16.f32 v22;
	v22 =	vunpack.i.l.bf16.f32 v22  }
0x3d: {  	v18 =	vand.u32 $0x7F, v18;
	v4 =	vand.u32 $0x7F, v4;
	[tilespmem:v20+s11+$0x0] =	vst.idx.add.f32.msk $0xffff, v22;
	v20 =	vunpack.i.l.bf16.f32 v13  }
0x3e: {  	v18 =	vor.u32 v18, v23;
	v4 =	vor.u32 v4, v11;
	[tilespmem:v24+s11+$0x0] =	vst.idx.add.f32.msk $0xffff, v14;
	v14 =	vunpack.i.u.bf16.f32 v15  }
0x3f: {  	v11 =	vunpack.i.u.bf16.f32 v21;
	v15 =	vunpack.i.l.bf16.f32 v21;
	[tilespmem:v6+s11+$0x0] =	vst.idx.add.f32.msk $0xffff, v14;
	v14 =	vor.u32 v1, v8  }
0x40: {  	v2 =	vadd.s32 $0x7800, v2;
	v6 =	vand.u32 $0x3FFF, v3;
	[tilespmem:v9+s11+$0x0] =	vst.idx.add.f32.msk $0xffff, v15  }
0x41: {  	v9 =	vadd.s32 $0x2800, v6;
	v15 =	vadd.s32 $0x5000, v6;
	v21 =	vadd.s32 $0x7800, v6;
	v8 =	vld [tilespmem:s18+$0x0]  }
0x42: {  	v9 =	vand.u32 $0x7F80, v9;
	[tilespmem:v19+s11+$0x0] =	vst.idx.add.f32.msk $0xffff, v11;
	v11 =	vand.u32 $0x7F, v3;
	v3 =	vand.u32 $0xFF80, v21  }
0x43: {  	v2 =	vand.u32 $0xFF80, v2;
	v5 =	vld.idx.msk [tilespmem:v5+s2+$0x0], $0xffff;
	v9 =	vor.u32 v11, v9;
	v19 =	vor.u32 v11, v3  }
0x44: {  	v22 =	vor.u32 v1, v2;
	v21 =	vld.idx.msk [tilespmem:v4+s2+$0x0], $0xffff  }
0x45: {  	v1 =	vand.u32 $0xFF80, v12;
	v12 =	vunpack.i.u.bf16.f32 v13;
	v18 =	vld.idx.msk [tilespmem:v18+s2+$0x0], $0xffff  }
0x46: {  	v10 =	vor.u32 v10, v1;
	v4 =	vshrl.u32 v8, $0xE;
	v2 =	vand.u32 $0x3FFF, v8;
	v3 =	vld [tilespmem:s18+$0x10]  }
0x47: {  	v1 =	vand.u32 $0x7F, v8;
	v13 =	vadd.s32 $0x2800, v2;
	v23 =	vadd.s32 $0x2800, v4;
	[tilespmem:v6+s11+$0x0] =	vst.idx.add.f32.msk $0xffff, v20  }
0x48: {  	v24 =	vshrl.u32 v26, $0xE;
	v6 =	vand.u32 $0x7F80, v13;
	[tilespmem:v9+s11+$0x0] =	vst.idx.add.f32.msk $0xffff, v12;
	v9 =	vand.u32 $0xFF80, v15  }
0x49: {  	v12 =	vand.u32 $0x7F, v24;
	v13 =	vadd.s32 $0x2800, v24;
	v15 =	vunpack.i.l.bf16.f32 v5;
	v28 =	vld.idx.msk [tilespmem:v16+s2+$0x0], $0xffff  }
0x4a: {  	v8 =	vadd.s32 $0x5000, v2;
	v20 =	vor.u32 v11, v9;
	[tilespmem:v7+s11+$0x0] =	vst.idx.add.f32.msk $0xffff, v15;
	v7 =	vunpack.i.l.bf16.f32 v21  }
0x4b: {  	v6 =	vor.u32 v1, v6;
	v11 =	vand.u32 $0x7FF80, v23;
	v9 =	vunpack.i.l.bf16.f32 v18;
	[tilespmem:v14+s11+$0x0] =	vst.idx.add.f32.msk $0xffff, v7  }
0x4c: {  	v7 =	vand.u32 $0x7FF80, v13;
	v13 =	vunpack.i.u.bf16.f32 v18;
	[tilespmem:v17+s11+$0x0] =	vst.idx.add.f32.msk $0xffff, v9;
	v9 =	vunpack.i.u.bf16.f32 v5  }
0x4d: {  	v29 =	vshrl.u32 v3, $0xE;
	v5 =	vor.u32 v12, v7;
	v7 =	vunpack.i.u.bf16.f32 v21;
	[tilespmem:v10+s11+$0x0] =	vst.idx.add.f32.msk $0xffff, v9  }
0x4e: {  	v14 =	vand.u32 $0x7F, v25;
	v16 =	vadd.s32 $0x2800, v29;
	v9 =	vand.u32 $0x3FFF, v25;
	v15 =	vld.idx.msk [tilespmem:v4+s2+$0x0], $0xffff  }
0x4f: {  	v10 =	vadd.s32 $0x2800, v9;
	v12 =	vadd.s32 $0x5000, v9;
	[tilespmem:v27+s11+$0x0] =	vst.idx.add.f32.msk $0xffff, v13;
	v13 =	vunpack.i.l.bf16.f32 v28  }
0x50: {  	v18 =	vshrl.u32 v25, $0xE;
	v25 =	vand.u32 $0x7F80, v10;
	v17 =	vand.u32 $0xFF80, v12;
	[tilespmem:v20+s11+$0x0] =	vst.idx.add.f32.msk $0xffff, v13  }
.Ltmp1:
0x51: {  	v21 =	vadd.s32 $0x2800, v18;
	v20 =	vand.u32 $0x3FFF, v26;
	[tilespmem:v22+s11+$0x0] =	vst.idx.add.f32.msk $0xffff, v7;
	v7 =	vunpack.i.u.bf16.f32 v28;
	(pc) =	sbr.rel @p0 .LBB2_5-.Ltmp1, $4  }
0x52: {  	v10 =	vadd.s32 $0x2800, v20;
	v13 =	vadd.s32 $0x5000, v20;
	v12 =	vadd.s32 $0x7800, v20;
	v22 =	vld.idx.msk [tilespmem:v24+s2+$0x0], $0xffff  }
0x53: {  	v24 =	vand.u32 $0x7F80, v10;
	v10 =	vand.u32 $0x7F, v26;
	v27 =	vand.u32 $0xFF80, v13;
	v13 =	vld.idx.msk [tilespmem:v29+s2+$0x0], $0xffff  }
0x54: {  	v23 =	vand.u32 $0x7FF80, v21;
	v24 =	vor.u32 v10, v24;
	v26 =	vunpack.i.l.bf16.f32 v15;
	[tilespmem:v19+s11+$0x0] =	vst.idx.add.f32.msk $0xffff, v7  }
0x55: {  	s18 =	sadd.s32 $0x40, s18;
	v19 =	vor.u32 v14, v25;
	v7 =	vor.u32 v10, v27;
	v25 =	vand.u32 $0x7F, v29;
	v21 =	vld.idx.msk [tilespmem:v18+s2+$0x0], $0xffff  }
0x56: {  	_ =	sdelay $0x3  }
0x57: {  	[tilespmem:v2+s11+$0x0] =	vst.idx.add.f32.msk $0xffff, v26;
	v15 =	vunpack.i.u.bf16.f32 v15  }
0x58: {  	v18 =	vand.u32 $0x7F, v18;
	v4 =	vand.u32 $0x7F, v4;
	v26 =	vunpack.i.l.bf16.f32 v22;
	[tilespmem:v6+s11+$0x0] =	vst.idx.add.f32.msk $0xffff, v15  }
0x59: {  	v22 =	vunpack.i.u.bf16.f32 v22;
	v4 =	vor.u32 v4, v11;
	v11 =	vand.u32 $0x3FFF, v3;
	[tilespmem:v20+s11+$0x0] =	vst.idx.add.f32.msk $0xffff, v26  }
0x5a: {  	v18 =	vor.u32 v18, v23;
	v6 =	vadd.s32 $0x2800, v11;
	[tilespmem:v24+s11+$0x0] =	vst.idx.add.f32.msk $0xffff, v22  }
0x5b: {  	v3 =	vand.u32 $0x7F, v3;
	v6 =	vand.u32 $0x7F80, v6;
	v20 =	vunpack.i.l.bf16.f32 v21;
	v5 =	vld.idx.msk [tilespmem:v5+s2+$0x0], $0xffff  }
0x5c: {  	v15 =	vunpack.i.u.bf16.f32 v21;
	v6 =	vor.u32 v3, v6;
	[tilespmem:v9+s11+$0x0] =	vst.idx.add.f32.msk $0xffff, v20  }
0x5d: {  	v16 =	vand.u32 $0x7FF80, v16;
	v8 =	vand.u32 $0xFF80, v8;
	v12 =	vand.u32 $0xFF80, v12;
	[tilespmem:v19+s11+$0x0] =	vst.idx.add.f32.msk $0xffff, v15  }
0x5e: {  	v2 =	vadd.s32 $0x7800, v2;
	v8 =	vor.u32 v1, v8;
	v15 =	vor.u32 v25, v16;
	v4 =	vld.idx.msk [tilespmem:v4+s2+$0x0], $0xffff  }
0x5f: {  	v10 =	vor.u32 v10, v12;
	v16 =	vor.u32 v14, v17;
	v17 =	vunpack.i.l.bf16.f32 v13;
	v18 =	vld.idx.msk [tilespmem:v18+s2+$0x0], $0xffff  }
0x60: {  	v2 =	vand.u32 $0xFF80, v2;
	v9 =	vadd.s32 $0x7800, v9;
	v13 =	vunpack.i.u.bf16.f32 v13;
	[tilespmem:v11+s11+$0x0] =	vst.idx.add.f32.msk $0xffff, v17  }
0x61: {  	v1 =	vor.u32 v1, v2;
	v9 =	vand.u32 $0xFF80, v9;
	[tilespmem:v6+s11+$0x0] =	vst.idx.add.f32.msk $0xffff, v13;
	v12 =	vunpack.i.l.bf16.f32 v5  }
0x62: {  	v9 =	vor.u32 v14, v9;
	v14 =	vadd.s32 $0x5000, v11;
	[tilespmem:v7+s11+$0x0] =	vst.idx.add.f32.msk $0xffff, v12  }
0x63: {  	v6 =	vadd.s32 $0x7800, v11;
	v11 =	vand.u32 $0xFF80, v14;
	v13 =	vld.idx.msk [tilespmem:v15+s2+$0x0], $0xffff;
	v7 =	vunpack.i.l.bf16.f32 v4  }
0x64: {  	v11 =	vor.u32 v3, v11;
	v6 =	vand.u32 $0xFF80, v6;
	v2 =	vunpack.i.l.bf16.f32 v18;
	[tilespmem:v8+s11+$0x0] =	vst.idx.add.f32.msk $0xffff, v7  }
0x65: {  	v3 =	vor.u32 v3, v6;
	v4 =	vunpack.i.u.bf16.f32 v4;
	[tilespmem:v16+s11+$0x0] =	vst.idx.add.f32.msk $0xffff, v2  }
0x66: {  	v2 =	vunpack.i.u.bf16.f32 v5;
	[tilespmem:v1+s11+$0x0] =	vst.idx.add.f32.msk $0xffff, v4  }
0x67: {  	p0 =	seq.s32 s15, $0x27;
	v5 =	vunpack.i.u.bf16.f32 v18;
	[tilespmem:v10+s11+$0x0] =	vst.idx.add.f32.msk $0xffff, v2  }
0x68: {  	s16 =	sshrl.u32 @!p0 s16, $0x3;
	[tilespmem:v9+s11+$0x0] =	vst.idx.add.f32.msk $0xffff, v5;
	v2 =	vunpack.i.l.bf16.f32 v13  }
0x69: {  	s16 =	sadd.s32 @!p0 s3, s16;
	v1 =	vunpack.i.u.bf16.f32 v13;
	[tilespmem:v11+s11+$0x0] =	vst.idx.add.f32.msk $0xffff, v2  }
0x6a: {  	s17 =	simm.s32 @!p0 $0x0;
	s18 =	simm.s32 @!p0 $0xF000;
	s16 =	sadd.s32 @!p0 $0x7D0, s16;
	[tilespmem:v3+s11+$0x0] =	vst.idx.add.f32.msk $0xffff, v1  }
0x6b: {  	[tilespmem:s18], [sflag:$0x1] =	stream.linear.gather @!p0 [hbm4b:s16+s17], $0x1F40, $0x38;
	[tilespmem:$0x12F00] =	vst v63  }
0x6c: {  	_ =	swait.ge [sflag:s12], $0x1F40  }
0x6d: {  	[sflag:s12] =	ssyncset.done $0x0  }
0x6e: {  	s31 =	simm.s32 $0x10FA0;
	[sflag:s12] =	ssyncadd.s32 $0xFFFFE0C0  }
0x6f: {  	v1 =	vld [tilespmem:s31+$0x0]  }
0x70: {  	v7 =	vld [tilespmem:s31+$0xFFFFFFF0]  }
0x71: {  	v10 =	vld [tilespmem:s31+$0xFFFFFFE0]  }
0x72: {  	v3 =	vld [tilespmem:s31+$0x10];
	_ =	sdelay $0x2  }
0x73: {  	v2 =	vand.u32 $0x3FFF, v1  }
0x74: {  	v4 =	vshrl.u32 v1, $0xE;
	v1 =	vand.u32 $0x7F, v1;
	v13 =	vshrl.u32 v7, $0xE  }
0x75: {  	v25 =	vshrl.u32 v3, $0xE;
	v18 =	vshrl.u32 v10, $0xE;
	v20 =	vand.u32 $0x3FFF, v7  }
0x76: {  	v5 =	vadd.s32 $0x2800, v2;
	v9 =	vadd.s32 $0x2800, v4;
	v12 =	vand.u32 $0x7F, v13  }
0x77: {  	v14 =	vadd.s32 $0x2800, v13;
	v8 =	vadd.s32 $0x5000, v2;
	v16 =	vadd.s32 $0x2800, v25  }
0x78: {  	v21 =	vadd.s32 $0x2800, v18;
	v23 =	vadd.s32 $0x5000, v20;
	v5 =	vand.u32 $0x7F80, v5  }
0x79: {  	v11 =	vand.u32 $0x7FF80, v9;
	v9 =	vand.u32 $0x3FFF, v10;
	v6 =	vor.u32 v1, v5  }
0x7a: {  	v5 =	vand.u32 $0x7FF80, v14;
	v14 =	vand.u32 $0x7F, v10;
	v17 =	vadd.s32 $0x5000, v9;
	v15 =	vld.idx.msk [tilespmem:v4+s2+$0x0], $0xffff  }
0x7b: {  	v10 =	vadd.s32 $0x2800, v20;
	v5 =	vor.u32 v12, v5;
	v12 =	vadd.s32 $0x2800, v9  }
0x7c: {  	v17 =	vand.u32 $0xFF80, v17;
	v24 =	vand.u32 $0x7F80, v10;
	v10 =	vand.u32 $0x7F, v7  }
0x7d: {  	v7 =	vand.u32 $0xFF80, v23;
	v23 =	vand.u32 $0x7FF80, v21;
	v19 =	vand.u32 $0x7F80, v12;
	v22 =	vld.idx.msk [tilespmem:v13+s2+$0x0], $0xffff  }
0x7e: {  	v12 =	vadd.s32 $0x7800, v20;
	v13 =	vld.idx.msk [tilespmem:v25+s2+$0x0], $0xffff;
	v24 =	vor.u32 v10, v24;
	v7 =	vor.u32 v10, v7  }
0x7f: {  	s16 =	simm.s32 $0x0;
	s17 =	simm.s32 $0x10FE0;
	v21 =	vld.idx.msk [tilespmem:v18+s2+$0x0], $0xffff;
	v25 =	vand.u32 $0x7F, v25;
	v19 =	vor.u32 v14, v19;
	v26 =	vunpack.i.l.bf16.f32 v15  }
.LBB2_7:
0x80: {  	s16 =	sadd.s32 $0x4, s16;
	v17 =	vor.u32 v14, v17;
	v27 =	vadd.s32 $0x7800, v9;
	[tilespmem:v2+s11+$0x0] =	vst.idx.add.f32.msk $0xffff, v26;
	v16 =	vand.u32 $0x7FF80, v16  }
0x81: {  	v8 =	vand.u32 $0xFF80, v8;
	v26 =	vld [tilespmem:s17+$0xFFFFFFF0];
	p0 =	slt.u32 s16, $0x1F0;
	v27 =	vand.u32 $0xFF80, v27;
	v16 =	vor.u32 v25, v16  }
0x82: {  	v25 =	vld [tilespmem:s17+$0xFFFFFFE0];
	v27 =	vor.u32 v14, v27;
	v14 =	vunpack.i.u.bf16.f32 v22;
	v22 =	vunpack.i.l.bf16.f32 v22  }
0x83: {  	v18 =	vand.u32 $0x7F, v18;
	v4 =	vand.u32 $0x7F, v4;
	[tilespmem:v20+s11+$0x0] =	vst.idx.add.f32.msk $0xffff, v22;
	v20 =	vunpack.i.l.bf16.f32 v13  }
0x84: {  	v18 =	vor.u32 v18, v23;
	v4 =	vor.u32 v4, v11;
	[tilespmem:v24+s11+$0x0] =	vst.idx.add.f32.msk $0xffff, v14;
	v14 =	vunpack.i.u.bf16.f32 v15  }
0x85: {  	v11 =	vunpack.i.u.bf16.f32 v21;
	v15 =	vunpack.i.l.bf16.f32 v21;
	[tilespmem:v6+s11+$0x0] =	vst.idx.add.f32.msk $0xffff, v14;
	v14 =	vor.u32 v1, v8  }
0x86: {  	v2 =	vadd.s32 $0x7800, v2;
	v6 =	vand.u32 $0x3FFF, v3;
	[tilespmem:v9+s11+$0x0] =	vst.idx.add.f32.msk $0xffff, v15  }
0x87: {  	v9 =	vadd.s32 $0x2800, v6;
	v15 =	vadd.s32 $0x5000, v6;
	v21 =	vadd.s32 $0x7800, v6;
	v8 =	vld [tilespmem:s17+$0x0]  }
0x88: {  	v9 =	vand.u32 $0x7F80, v9;
	[tilespmem:v19+s11+$0x0] =	vst.idx.add.f32.msk $0xffff, v11;
	v11 =	vand.u32 $0x7F, v3;
	v3 =	vand.u32 $0xFF80, v21  }
0x89: {  	v2 =	vand.u32 $0xFF80, v2;
	v5 =	vld.idx.msk [tilespmem:v5+s2+$0x0], $0xffff;
	v9 =	vor.u32 v11, v9;
	v19 =	vor.u32 v11, v3  }
0x8a: {  	v22 =	vor.u32 v1, v2;
	v21 =	vld.idx.msk [tilespmem:v4+s2+$0x0], $0xffff  }
0x8b: {  	v1 =	vand.u32 $0xFF80, v12;
	v12 =	vunpack.i.u.bf16.f32 v13;
	v18 =	vld.idx.msk [tilespmem:v18+s2+$0x0], $0xffff  }
0x8c: {  	v10 =	vor.u32 v10, v1;
	v4 =	vshrl.u32 v8, $0xE;
	v2 =	vand.u32 $0x3FFF, v8;
	v3 =	vld [tilespmem:s17+$0x10]  }
0x8d: {  	v1 =	vand.u32 $0x7F, v8;
	v13 =	vadd.s32 $0x2800, v2;
	v23 =	vadd.s32 $0x2800, v4;
	[tilespmem:v6+s11+$0x0] =	vst.idx.add.f32.msk $0xffff, v20  }
0x8e: {  	v24 =	vshrl.u32 v26, $0xE;
	v6 =	vand.u32 $0x7F80, v13;
	[tilespmem:v9+s11+$0x0] =	vst.idx.add.f32.msk $0xffff, v12;
	v9 =	vand.u32 $0xFF80, v15  }
0x8f: {  	v12 =	vand.u32 $0x7F, v24;
	v13 =	vadd.s32 $0x2800, v24;
	v15 =	vunpack.i.l.bf16.f32 v5;
	v28 =	vld.idx.msk [tilespmem:v16+s2+$0x0], $0xffff  }
0x90: {  	v8 =	vadd.s32 $0x5000, v2;
	v20 =	vor.u32 v11, v9;
	[tilespmem:v7+s11+$0x0] =	vst.idx.add.f32.msk $0xffff, v15;
	v7 =	vunpack.i.l.bf16.f32 v21  }
0x91: {  	v6 =	vor.u32 v1, v6;
	v11 =	vand.u32 $0x7FF80, v23;
	v9 =	vunpack.i.l.bf16.f32 v18;
	[tilespmem:v14+s11+$0x0] =	vst.idx.add.f32.msk $0xffff, v7  }
0x92: {  	v7 =	vand.u32 $0x7FF80, v13;
	v13 =	vunpack.i.u.bf16.f32 v18;
	[tilespmem:v17+s11+$0x0] =	vst.idx.add.f32.msk $0xffff, v9;
	v9 =	vunpack.i.u.bf16.f32 v5  }
0x93: {  	v29 =	vshrl.u32 v3, $0xE;
	v5 =	vor.u32 v12, v7;
	v7 =	vunpack.i.u.bf16.f32 v21;
	[tilespmem:v10+s11+$0x0] =	vst.idx.add.f32.msk $0xffff, v9  }
0x94: {  	v14 =	vand.u32 $0x7F, v25;
	v16 =	vadd.s32 $0x2800, v29;
	v9 =	vand.u32 $0x3FFF, v25;
	v15 =	vld.idx.msk [tilespmem:v4+s2+$0x0], $0xffff  }
0x95: {  	v10 =	vadd.s32 $0x2800, v9;
	v12 =	vadd.s32 $0x5000, v9;
	[tilespmem:v27+s11+$0x0] =	vst.idx.add.f32.msk $0xffff, v13;
	v13 =	vunpack.i.l.bf16.f32 v28  }
0x96: {  	v18 =	vshrl.u32 v25, $0xE;
	v25 =	vand.u32 $0x7F80, v10;
	v17 =	vand.u32 $0xFF80, v12;
	[tilespmem:v20+s11+$0x0] =	vst.idx.add.f32.msk $0xffff, v13  }
.Ltmp2:
0x97: {  	v21 =	vadd.s32 $0x2800, v18;
	v20 =	vand.u32 $0x3FFF, v26;
	[tilespmem:v22+s11+$0x0] =	vst.idx.add.f32.msk $0xffff, v7;
	v7 =	vunpack.i.u.bf16.f32 v28;
	(pc) =	sbr.rel @p0 .LBB2_7-.Ltmp2, $4  }
0x98: {  	v10 =	vadd.s32 $0x2800, v20;
	v13 =	vadd.s32 $0x5000, v20;
	v12 =	vadd.s32 $0x7800, v20;
	v22 =	vld.idx.msk [tilespmem:v24+s2+$0x0], $0xffff  }
0x99: {  	v24 =	vand.u32 $0x7F80, v10;
	v10 =	vand.u32 $0x7F, v26;
	v27 =	vand.u32 $0xFF80, v13;
	v13 =	vld.idx.msk [tilespmem:v29+s2+$0x0], $0xffff  }
0x9a: {  	v23 =	vand.u32 $0x7FF80, v21;
	v24 =	vor.u32 v10, v24;
	v26 =	vunpack.i.l.bf16.f32 v15;
	[tilespmem:v19+s11+$0x0] =	vst.idx.add.f32.msk $0xffff, v7  }
0x9b: {  	s17 =	sadd.s32 $0x40, s17;
	v19 =	vor.u32 v14, v25;
	v7 =	vor.u32 v10, v27;
	v25 =	vand.u32 $0x7F, v29;
	v21 =	vld.idx.msk [tilespmem:v18+s2+$0x0], $0xffff  }
0x9c: {  	_ =	sdelay $0x3  }
0x9d: {  	[tilespmem:v2+s11+$0x0] =	vst.idx.add.f32.msk $0xffff, v26;
	v15 =	vunpack.i.u.bf16.f32 v15  }
0x9e: {  	v18 =	vand.u32 $0x7F, v18;
	v4 =	vand.u32 $0x7F, v4;
	v47 =	vunpack.i.l.bf16.f32 v22;
	[tilespmem:v6+s11+$0x0] =	vst.idx.add.f32.msk $0xffff, v15  }
0x9f: {  	v49 =	vand.u32 $0x3FFF, v3;
	v48 =	vunpack.i.u.bf16.f32 v22;
	v4 =	vor.u32 v4, v11;
	[tilespmem:v20+s11+$0x0] =	vst.idx.add.f32.msk $0xffff, v47  }
0xa0: {  	v18 =	vor.u32 v18, v23;
	v51 =	vadd.s32 $0x2800, v49;
	[tilespmem:v24+s11+$0x0] =	vst.idx.add.f32.msk $0xffff, v48  }
0xa1: {  	v3 =	vand.u32 $0x7F, v3;
	v6 =	vand.u32 $0x7F80, v51;
	v50 =	vunpack.i.l.bf16.f32 v21;
	v5 =	vld.idx.msk [tilespmem:v5+s2+$0x0], $0xffff  }
0xa2: {  	v16 =	vand.u32 $0x7FF80, v16;
	v6 =	vor.u32 v3, v6;
	v52 =	vunpack.i.u.bf16.f32 v21;
	[tilespmem:v9+s11+$0x0] =	vst.idx.add.f32.msk $0xffff, v50  }
0xa3: {  	v53 =	vor.u32 v25, v16;
	[tilespmem:v19+s11+$0x0] =	vst.idx.add.f32.msk $0xffff, v52  }
0xa4: {  	v54 =	vor.u32 v14, v17;
	v55 =	vadd.s32 $0x7800, v9;
	v8 =	vand.u32 $0xFF80, v8;
	v4 =	vld.idx.msk [tilespmem:v4+s2+$0x0], $0xffff  }
0xa5: {  	v2 =	vadd.s32 $0x7800, v2;
	v8 =	vor.u32 v1, v8;
	v56 =	vunpack.i.l.bf16.f32 v13;
	v18 =	vld.idx.msk [tilespmem:v18+s2+$0x0], $0xffff  }
0xa6: {  	v12 =	vand.u32 $0xFF80, v12;
	v2 =	vand.u32 $0xFF80, v2;
	v57 =	vunpack.i.u.bf16.f32 v13;
	[tilespmem:v49+s11+$0x0] =	vst.idx.add.f32.msk $0xffff, v56  }
0xa7: {  	v58 =	vadd.s32 $0x5000, v49;
	v10 =	vor.u32 v10, v12;
	v1 =	vor.u32 v1, v2;
	[tilespmem:v6+s11+$0x0] =	vst.idx.add.f32.msk $0xffff, v57  }
0xa8: {  	v59 =	vadd.s32 $0x7800, v49;
	v9 =	vand.u32 $0xFF80, v55;
	v61 =	vunpack.i.l.bf16.f32 v5;
	v13 =	vld.idx.msk [tilespmem:v53+s2+$0x0], $0xffff  }
0xa9: {  	v60 =	vand.u32 $0xFF80, v58;
	v9 =	vor.u32 v14, v9;
	[tilespmem:v7+s11+$0x0] =	vst.idx.add.f32.msk $0xffff, v61;
	v62 =	vunpack.i.l.bf16.f32 v4  }
0xaa: {  	s15 =	sadd.s32 $0x1, s15;
	v11 =	vor.u32 v3, v60;
	v6 =	vand.u32 $0xFF80, v59;
	v2 =	vunpack.i.l.bf16.f32 v18;
	[tilespmem:v8+s11+$0x0] =	vst.idx.add.f32.msk $0xffff, v62  }
0xab: {  	p0 =	sne.s32 s15, $0x28;
	v3 =	vor.u32 v3, v6;
	v4 =	vunpack.i.u.bf16.f32 v4;
	[tilespmem:v54+s11+$0x0] =	vst.idx.add.f32.msk $0xffff, v2  }
.Ltmp3:
0xac: {  	v2 =	vunpack.i.u.bf16.f32 v5;
	[tilespmem:v1+s11+$0x0] =	vst.idx.add.f32.msk $0xffff, v4;
	(pc) =	sbr.rel @p0 .LBB2_4-.Ltmp3, $4  }
0xad: {  	v63 =	vunpack.i.u.bf16.f32 v18;
	[tilespmem:v10+s11+$0x0] =	vst.idx.add.f32.msk $0xffff, v2  }
0xae: {  	[tilespmem:v9+s11+$0x0] =	vst.idx.add.f32.msk $0xffff, v63;
	v2 =	vunpack.i.l.bf16.f32 v13  }
0xaf: {  	v1 =	vunpack.i.u.bf16.f32 v13;
	[tilespmem:v11+s11+$0x0] =	vst.idx.add.f32.msk $0xffff, v2  }
0xb0: {  	[tilespmem:v3+s11+$0x0] =	vst.idx.add.f32.msk $0xffff, v1  }
0xb1: {  	s14 =	sadd.s32 $0x1, s14  }
0xb2: {  	p0 =	sne.s32 s14, s6  }
.Ltmp4:
0xb3: {  	_ = 	snop;
	(pc) =	sbr.rel @p0 .LBB2_1-.Ltmp4, $4  }
0xb4: {  	[hbm4b:s5+s2] =	stream.linear.scatter [tilespmem:s11], [sflag:$0x4], $0xA000, $0x38;
	[tilespmem:$0x12F00] =	vst v63  }
0xb5: {  	_ =	swait.ge [sflag:s13], $0xA000  }
0xb6: {  	[sflag:s13] =	ssyncset.done $0x0  }
0xb7: {  	[sflag:s13] =	ssyncadd.s32 $0xFFFF6000  }
0xb8: {  	_ =	sfence.sel $0x180000  }
0xb9: {  	[bflag:$0x0] =	sbarrier.arrive $0xFFFF  }
0xba: {  	p0 =	sne.s32 s0, $0x0;
	_ =	strace $0x90000047  }
0xbb: {  	s0 =	sadd.s32 @!p0 $0x100000, s1;
	[bflag:$0x2] =	sbarrier.arrive $0xFFFF  }
0xbc: {  	[sflag:s0] =	ssyncadd.tile.s32 @!p0 $0x1;
	_ =	shalt  }
.Lfunc_end2:
_tile_overlayer_lowered:
.L_overlay_start_2:
0xbd: {  	(tag) =	ssettag $0x2  }
0xbe: {  	s0 =	rddreg [dreg:$0x0];
	s2 =	stileid.u32  }
0xbf: {  	s1 =	rddreg [dreg:$0x1];
	p0 =	sne.s32 s2, $0x0  }
0xc0: {  	s3 =	rddreg [dreg:$0x2];
	[bflag:$0x3] =	sbarrier.arrive $0xFFFF;
	s2 =	simm.s32 @!p0 $0x1C04  }
0xc1: {  	[timem:s3], [sflag:s2] =	dma.local @!p0 [hbm:s0], s1  }
0xc2: {  	s0 =	simm.s32 @!p0 $0x4  }
0xc3: {  	_ =	swait.ge @!p0 [sflag:s0], s1  }
0xc4: {  	s1 =	ssub.s32 @!p0 $0x0, s1;
	[sflag:s0] =	ssyncset.done @!p0 $0x0  }
0xc5: {  	[sflag:s0] =	ssyncadd.s32 @!p0 s1  }
0xc6: {  	[bflag:$0x3] =	sbarrier.arrive $0xFFFF  }
0xc7: {  	_ =	shalt  }

</sc_bundles>
